<compile_context>
chip_gen: v7x
topology: tpu7x:2x2x1
jax: 0.10.2.dev20260603
libtpu: 0.0.44.dev20260713+nightly
codegen_flags: <defaults>
</compile_context>

<pallas_src>
import jax
import jax.numpy as jnp
from jax import lax
from jax.experimental import pallas as pl
from jax.experimental.pallas import tpu as pltpu
from jax.experimental.pallas import tpu_sc as plsc

B = 4096
L = 50
E = 128
H = 512
O = 128

NC = 2
NS = 16
NW = NC * NS
EV = E // 16
NBUF = 8


def _make_bag(nrows):
    cpw = nrows // NW

    def body(idx_hbm, table_hbm, out_hbm, idx_v, gbufs, acc, sems):
        wid = lax.axis_index("s") * NC + lax.axis_index("c")
        pltpu.sync_copy(idx_hbm.at[pl.ds(wid * cpw, cpw)], idx_v)

        def start(c, b):
            pltpu.make_async_copy(table_hbm.at[idx_v.at[c]], gbufs.at[b],
                                  sems.at[b]).start()

        def wait(b):
            pltpu.make_async_copy(table_hbm.at[idx_v.at[0]], gbufs.at[b],
                                  sems.at[b]).wait()

        def accum(b, c):
            def add_body(j, vecs):
                return tuple(
                    vecs[k] + gbufs[b, j, pl.ds(16 * k, 16)]
                    for k in range(EV))

            init = tuple(jnp.zeros((16,), jnp.float32) for _ in range(EV))
            vecs = lax.fori_loop(0, L, add_body, init)
            for k in range(EV):
                acc[c, pl.ds(16 * k, 16)] = vecs[k]

        for b in range(NBUF):
            start(b, b)

        def loop_body(c, carry):
            b = lax.rem(c, NBUF)
            wait(b)
            accum(b, c)
            start(lax.rem(c + NBUF, cpw), b)
            return carry

        lax.fori_loop(0, cpw, loop_body, 0)
        for b in range(NBUF):
            wait(b)
        pltpu.sync_copy(acc, out_hbm.at[pl.ds(wid * cpw, cpw)])

    return pl.kernel(
        body,
        mesh=plsc.VectorSubcoreMesh(core_axis_name="c",
                                    subcore_axis_name="s"),
        out_type=jax.ShapeDtypeStruct((nrows, E), jnp.float32),
        scratch_types=(
            [pltpu.VMEM((cpw, L), jnp.int32)]
            + [pltpu.VMEM((NBUF, L, E), jnp.float32)]
            + [pltpu.VMEM((cpw, E), jnp.float32)]
            + [pltpu.SemaphoreType.DMA((NBUF,))]
        ),
    )


BM = 4096


def _mlp_body(x_ref, w1_ref, b1_ref, w2_ref, b2_ref, w3_ref, b3_ref, o_ref):
    x = x_ref[...].astype(jnp.bfloat16)
    h = jnp.tanh(jnp.dot(x, w1_ref[...],
                         preferred_element_type=jnp.float32) + b1_ref[...])
    h = jnp.tanh(jnp.dot(h.astype(jnp.bfloat16), w2_ref[...],
                         preferred_element_type=jnp.float32) + b2_ref[...])
    o_ref[...] = jnp.dot(h.astype(jnp.bfloat16), w3_ref[...],
                         preferred_element_type=jnp.float32) + b3_ref[...]


def _make_mlp(nrows):
    return pl.pallas_call(
        _mlp_body,
        grid=(nrows // BM,),
        in_specs=[
            pl.BlockSpec((BM, E), lambda i: (i, 0)),
            pl.BlockSpec((E, H), lambda i: (0, 0)),
            pl.BlockSpec((1, H), lambda i: (0, 0)),
            pl.BlockSpec((H, H), lambda i: (0, 0)),
            pl.BlockSpec((1, H), lambda i: (0, 0)),
            pl.BlockSpec((H, O), lambda i: (0, 0)),
            pl.BlockSpec((1, O), lambda i: (0, 0)),
        ],
        out_specs=pl.BlockSpec((BM, O), lambda i: (i, 0)),
        out_shape=jax.ShapeDtypeStruct((nrows, O), jnp.float32),
    )


def kernel(inputs, embed, W1, b1, W2, b2, W3, b3):
    x = _make_bag(B)(inputs, embed)
    return _make_mlp(B)(x, W1.astype(jnp.bfloat16), b1.reshape(1, H),
                        W2.astype(jnp.bfloat16), b2.reshape(1, H),
                        W3.astype(jnp.bfloat16), b3.reshape(1, O))

# --- scband reference (transcript-rebuilt; emitter-appended) ---
"""Pipeline reference for scband-deep-cbow-82703890252310 (READ-ONLY COPY).

The authoritative reference and input builder live on the scoring server;
editing this copy changes nothing except your own understanding.
"""

import jax, jax.numpy as jnp
import numpy as np

VOCAB = 100000
EMBED = 128
HIDDEN = 512
OUT = 128
B = 4096
L = 50

def setup_inputs(seed: int = 0) -> dict:
    key = jax.random.key(seed)
    k_idx, k_emb, k_w1, k_b1, k_w2, k_b2, k_w3, k_b3 = jax.random.split(key, 8)
    inputs = jax.random.randint(k_idx, (B, L), 0, VOCAB, dtype=jnp.int64 if jax.config.read('jax_enable_x64') else jnp.int32).astype(jnp.int32)
    embed = jax.random.normal(k_emb, (VOCAB, EMBED), dtype=jnp.float32) * 0.02
    W1 = jax.random.normal(k_w1, (EMBED, HIDDEN), dtype=jnp.float32) * (1.0 / np.sqrt(EMBED))
    b1 = jnp.zeros((HIDDEN,), dtype=jnp.float32)
    W2 = jax.random.normal(k_w2, (HIDDEN, HIDDEN), dtype=jnp.float32) * (1.0 / np.sqrt(HIDDEN))
    b2 = jnp.zeros((HIDDEN,), dtype=jnp.float32)
    W3 = jax.random.normal(k_w3, (HIDDEN, OUT), dtype=jnp.float32) * (1.0 / np.sqrt(HIDDEN))
    b3 = jnp.zeros((OUT,), dtype=jnp.float32)
    return {"inputs": inputs, "embed": embed, "W1": W1, "b1": b1, "W2": W2, "b2": b2, "W3": W3, "b3": b3}

def reference(inputs, embed, W1, b1, W2, b2, W3, b3):
    # embedding lookup: [B, L, E]
    x = jnp.take(embed, inputs, axis=0)
    # CBOW sum over sequence dim
    x = x.sum(axis=1)  # [B, E]
    # MLP: Linear -> Tanh -> Linear -> Tanh -> Linear
    h = jnp.tanh(x @ W1 + b1)
    h = jnp.tanh(h @ W2 + b2)
    logits = h @ W3 + b3
    return logits

if __name__ == "__main__":
    import jax
    _d = setup_inputs()
    print(jax.jit(kernel)(*tuple(_d.values())))

</pallas_src>

<mosaic_0001>
#map = affine_map<(d0, d1) -> (0, 0)>
module attributes {stable_mosaic.version = 14 : i64} {
  func.func @body(%arg0: i32, %arg1: i32, %arg2: memref<4096x50xi32, #tpu.memory_space<hbm>>, %arg3: memref<100000x128xf32, #tpu.memory_space<hbm>>, %arg4: memref<4096x128xf32, #tpu.memory_space<hbm>>, %arg5: memref<128x50xi32, #tpu.memory_space<vmem>>, %arg6: memref<8x50x128xf32, #tpu.memory_space<vmem>>, %arg7: memref<128x128xf32, #tpu.memory_space<vmem>>, %arg8: memref<8x!tpu.dma_semaphore, #tpu.memory_space<semaphore_mem>>) attributes {dimension_semantics = [#tpu.dimension_semantics<core_parallel>, #tpu.dimension_semantics<subcore_parallel>], iteration_bounds = array<i64: 2, 16>, scalar_prefetch = 0 : i64, scratch_operands = 4 : i64, tpu.core_type = #tpu.core_type<sc_vector_subcore>, window_params = [{transform_indices = #map}, {transform_indices = #map}, {transform_indices = #map}]} {
    %mul3A = arith.constant 2 : i32
    %mul3A_0 = arith.muli %arg1, %mul3A : i32
    %add3A = arith.addi %mul3A_0, %arg0 : i32
    %mul3A_1 = arith.constant 128 : i32
    %mul3A_2 = arith.muli %add3A, %mul3A_1 : i32
    "tpu.region"() ({
      %run_scoped3A = tpu.sem_alloc : memref<!tpu.dma_semaphore, #tpu.memory_space<semaphore_mem>>
      %dma_start3A_248 = arith.constant 0 : i32
      %dma_start3A_249 = tpu.memref_slice %arg2[%mul3A_2, %dma_start3A_248] : memref<4096x50xi32, #tpu.memory_space<hbm>> -> memref<128x50xi32, #tpu.memory_space<hbm>>
      %dma_start3A_250 = arith.constant 0 : i32
      %dma_start3A_251 = tpu.memref_slice %arg2[%mul3A_2, %dma_start3A_250] : memref<4096x50xi32, #tpu.memory_space<hbm>> -> memref<128x50xi32, #tpu.memory_space<hbm>>
      tpu.enqueue_dma source(%dma_start3A_251 : memref<128x50xi32, #tpu.memory_space<hbm>>) target(%arg5 : memref<128x50xi32, #tpu.memory_space<vmem>>) target_semaphore(%run_scoped3A : memref<!tpu.dma_semaphore, #tpu.memory_space<semaphore_mem>>)
      %dma_wait3A_252 = arith.constant 0 : i32
      %dma_wait3A_253 = tpu.memref_slice %arg2[%mul3A_2, %dma_wait3A_252] : memref<4096x50xi32, #tpu.memory_space<hbm>> -> memref<128x50xi32, #tpu.memory_space<hbm>>
      %dma_wait3A_254 = arith.constant 0 : i32
      %dma_wait3A_255 = tpu.memref_slice %arg2[%mul3A_2, %dma_wait3A_254] : memref<4096x50xi32, #tpu.memory_space<hbm>> -> memref<128x50xi32, #tpu.memory_space<hbm>>
      tpu.wait_dma2 semaphore(%run_scoped3A : memref<!tpu.dma_semaphore, #tpu.memory_space<semaphore_mem>>) src(%dma_wait3A_255 : memref<128x50xi32, #tpu.memory_space<hbm>>) dst(%arg5 : memref<128x50xi32, #tpu.memory_space<vmem>>)
      tpu.yield
    }) : () -> ()
    %dma_start3A = arith.constant 0 : i32
    %dma_start3A_3 = arith.constant 0 : i32
    %dma_start3A_4 = arith.constant 0 : i32
    %dma_start3A_5 = arith.constant 0 : i32
    %dma_start3A_6 = arith.constant 0 : i32
    %dma_start3A_7 = tpu.memref_slice %arg6[%dma_start3A_3, %dma_start3A_5, %dma_start3A_6] : memref<8x50x128xf32, #tpu.memory_space<vmem>> -> memref<1x50x128xf32, #tpu.memory_space<vmem>>
    %dma_start3A_8 = tpu.memref_squeeze %dma_start3A_7 : memref<1x50x128xf32, #tpu.memory_space<vmem>> -> memref<50x128xf32, #tpu.memory_space<vmem>>
    %dma_start3A_9 = arith.constant 0 : i32
    %dma_start3A_10 = tpu.memref_slice %arg5[%dma_start3A, %dma_start3A_9] : memref<128x50xi32, #tpu.memory_space<vmem>> -> memref<1x50xi32, #tpu.memory_space<vmem>>
    %dma_start3A_11 = tpu.memref_squeeze %dma_start3A_10 : memref<1x50xi32, #tpu.memory_space<vmem>> -> memref<50xi32, #tpu.memory_space<vmem>>
    %dma_start3A_12 = arith.constant 0 : i32
    %dma_start3A_13 = arith.constant 0 : i32
    %dma_start3A_14 = tpu.memref_slice %arg3[%dma_start3A_12, %dma_start3A_13] : memref<100000x128xf32, #tpu.memory_space<hbm>> -> memref<100000x128xf32, #tpu.memory_space<hbm>>
    %dma_start3A_15 = tpu.memref_slice %arg8[%dma_start3A_4] : memref<8x!tpu.dma_semaphore, #tpu.memory_space<semaphore_mem>> -> memref<1x!tpu.dma_semaphore, #tpu.memory_space<semaphore_mem>>
    %dma_start3A_16 = tpu.memref_squeeze %dma_start3A_15 : memref<1x!tpu.dma_semaphore, #tpu.memory_space<semaphore_mem>> -> memref<!tpu.dma_semaphore, #tpu.memory_space<semaphore_mem>>
    tpu.enqueue_indirect_dma source(%dma_start3A_14 : memref<100000x128xf32, #tpu.memory_space<hbm>>) target(%dma_start3A_8 : memref<50x128xf32, #tpu.memory_space<vmem>>) offsets(%dma_start3A_11 : memref<50xi32, #tpu.memory_space<vmem>>) semaphore(%dma_start3A_16 : memref<!tpu.dma_semaphore, #tpu.memory_space<semaphore_mem>>)
    %dma_start3A_17 = arith.constant 1 : i32
    %dma_start3A_18 = arith.constant 1 : i32
    %dma_start3A_19 = arith.constant 1 : i32
    %dma_start3A_20 = arith.constant 0 : i32
    %dma_start3A_21 = arith.constant 0 : i32
    %dma_start3A_22 = tpu.memref_slice %arg6[%dma_start3A_18, %dma_start3A_20, %dma_start3A_21] : memref<8x50x128xf32, #tpu.memory_space<vmem>> -> memref<1x50x128xf32, #tpu.memory_space<vmem>>
    %dma_start3A_23 = tpu.memref_squeeze %dma_start3A_22 : memref<1x50x128xf32, #tpu.memory_space<vmem>> -> memref<50x128xf32, #tpu.memory_space<vmem>>
    %dma_start3A_24 = arith.constant 0 : i32
    %dma_start3A_25 = tpu.memref_slice %arg5[%dma_start3A_17, %dma_start3A_24] : memref<128x50xi32, #tpu.memory_space<vmem>> -> memref<1x50xi32, #tpu.memory_space<vmem>>
    %dma_start3A_26 = tpu.memref_squeeze %dma_start3A_25 : memref<1x50xi32, #tpu.memory_space<vmem>> -> memref<50xi32, #tpu.memory_space<vmem>>
    %dma_start3A_27 = arith.constant 0 : i32
    %dma_start3A_28 = arith.constant 0 : i32
    %dma_start3A_29 = tpu.memref_slice %arg3[%dma_start3A_27, %dma_start3A_28] : memref<100000x128xf32, #tpu.memory_space<hbm>> -> memref<100000x128xf32, #tpu.memory_space<hbm>>
    %dma_start3A_30 = tpu.memref_slice %arg8[%dma_start3A_19] : memref<8x!tpu.dma_semaphore, #tpu.memory_space<semaphore_mem>> -> memref<1x!tpu.dma_semaphore, #tpu.memory_space<semaphore_mem>>
    %dma_start3A_31 = tpu.memref_squeeze %dma_start3A_30 : memref<1x!tpu.dma_semaphore, #tpu.memory_space<semaphore_mem>> -> memref<!tpu.dma_semaphore, #tpu.memory_space<semaphore_mem>>
    tpu.enqueue_indirect_dma source(%dma_start3A_29 : memref<100000x128xf32, #tpu.memory_space<hbm>>) target(%dma_start3A_23 : memref<50x128xf32, #tpu.memory_space<vmem>>) offsets(%dma_start3A_26 : memref<50xi32, #tpu.memory_space<vmem>>) semaphore(%dma_start3A_31 : memref<!tpu.dma_semaphore, #tpu.memory_space<semaphore_mem>>)
    %dma_start3A_32 = arith.constant 2 : i32
    %dma_start3A_33 = arith.constant 2 : i32
    %dma_start3A_34 = arith.constant 2 : i32
    %dma_start3A_35 = arith.constant 0 : i32
    %dma_start3A_36 = arith.constant 0 : i32
    %dma_start3A_37 = tpu.memref_slice %arg6[%dma_start3A_33, %dma_start3A_35, %dma_start3A_36] : memref<8x50x128xf32, #tpu.memory_space<vmem>> -> memref<1x50x128xf32, #tpu.memory_space<vmem>>
    %dma_start3A_38 = tpu.memref_squeeze %dma_start3A_37 : memref<1x50x128xf32, #tpu.memory_space<vmem>> -> memref<50x128xf32, #tpu.memory_space<vmem>>
    %dma_start3A_39 = arith.constant 0 : i32
    %dma_start3A_40 = tpu.memref_slice %arg5[%dma_start3A_32, %dma_start3A_39] : memref<128x50xi32, #tpu.memory_space<vmem>> -> memref<1x50xi32, #tpu.memory_space<vmem>>
    %dma_start3A_41 = tpu.memref_squeeze %dma_start3A_40 : memref<1x50xi32, #tpu.memory_space<vmem>> -> memref<50xi32, #tpu.memory_space<vmem>>
    %dma_start3A_42 = arith.constant 0 : i32
    %dma_start3A_43 = arith.constant 0 : i32
    %dma_start3A_44 = tpu.memref_slice %arg3[%dma_start3A_42, %dma_start3A_43] : memref<100000x128xf32, #tpu.memory_space<hbm>> -> memref<100000x128xf32, #tpu.memory_space<hbm>>
    %dma_start3A_45 = tpu.memref_slice %arg8[%dma_start3A_34] : memref<8x!tpu.dma_semaphore, #tpu.memory_space<semaphore_mem>> -> memref<1x!tpu.dma_semaphore, #tpu.memory_space<semaphore_mem>>
    %dma_start3A_46 = tpu.memref_squeeze %dma_start3A_45 : memref<1x!tpu.dma_semaphore, #tpu.memory_space<semaphore_mem>> -> memref<!tpu.dma_semaphore, #tpu.memory_space<semaphore_mem>>
    tpu.enqueue_indirect_dma source(%dma_start3A_44 : memref<100000x128xf32, #tpu.memory_space<hbm>>) target(%dma_start3A_38 : memref<50x128xf32, #tpu.memory_space<vmem>>) offsets(%dma_start3A_41 : memref<50xi32, #tpu.memory_space<vmem>>) semaphore(%dma_start3A_46 : memref<!tpu.dma_semaphore, #tpu.memory_space<semaphore_mem>>)
    %dma_start3A_47 = arith.constant 3 : i32
    %dma_start3A_48 = arith.constant 3 : i32
    %dma_start3A_49 = arith.constant 3 : i32
    %dma_start3A_50 = arith.constant 0 : i32
    %dma_start3A_51 = arith.constant 0 : i32
    %dma_start3A_52 = tpu.memref_slice %arg6[%dma_start3A_48, %dma_start3A_50, %dma_start3A_51] : memref<8x50x128xf32, #tpu.memory_space<vmem>> -> memref<1x50x128xf32, #tpu.memory_space<vmem>>
    %dma_start3A_53 = tpu.memref_squeeze %dma_start3A_52 : memref<1x50x128xf32, #tpu.memory_space<vmem>> -> memref<50x128xf32, #tpu.memory_space<vmem>>
    %dma_start3A_54 = arith.constant 0 : i32
    %dma_start3A_55 = tpu.memref_slice %arg5[%dma_start3A_47, %dma_start3A_54] : memref<128x50xi32, #tpu.memory_space<vmem>> -> memref<1x50xi32, #tpu.memory_space<vmem>>
    %dma_start3A_56 = tpu.memref_squeeze %dma_start3A_55 : memref<1x50xi32, #tpu.memory_space<vmem>> -> memref<50xi32, #tpu.memory_space<vmem>>
    %dma_start3A_57 = arith.constant 0 : i32
    %dma_start3A_58 = arith.constant 0 : i32
    %dma_start3A_59 = tpu.memref_slice %arg3[%dma_start3A_57, %dma_start3A_58] : memref<100000x128xf32, #tpu.memory_space<hbm>> -> memref<100000x128xf32, #tpu.memory_space<hbm>>
    %dma_start3A_60 = tpu.memref_slice %arg8[%dma_start3A_49] : memref<8x!tpu.dma_semaphore, #tpu.memory_space<semaphore_mem>> -> memref<1x!tpu.dma_semaphore, #tpu.memory_space<semaphore_mem>>
    %dma_start3A_61 = tpu.memref_squeeze %dma_start3A_60 : memref<1x!tpu.dma_semaphore, #tpu.memory_space<semaphore_mem>> -> memref<!tpu.dma_semaphore, #tpu.memory_space<semaphore_mem>>
    tpu.enqueue_indirect_dma source(%dma_start3A_59 : memref<100000x128xf32, #tpu.memory_space<hbm>>) target(%dma_start3A_53 : memref<50x128xf32, #tpu.memory_space<vmem>>) offsets(%dma_start3A_56 : memref<50xi32, #tpu.memory_space<vmem>>) semaphore(%dma_start3A_61 : memref<!tpu.dma_semaphore, #tpu.memory_space<semaphore_mem>>)
    %dma_start3A_62 = arith.constant 4 : i32
    %dma_start3A_63 = arith.constant 4 : i32
    %dma_start3A_64 = arith.constant 4 : i32
    %dma_start3A_65 = arith.constant 0 : i32
    %dma_start3A_66 = arith.constant 0 : i32
    %dma_start3A_67 = tpu.memref_slice %arg6[%dma_start3A_63, %dma_start3A_65, %dma_start3A_66] : memref<8x50x128xf32, #tpu.memory_space<vmem>> -> memref<1x50x128xf32, #tpu.memory_space<vmem>>
    %dma_start3A_68 = tpu.memref_squeeze %dma_start3A_67 : memref<1x50x128xf32, #tpu.memory_space<vmem>> -> memref<50x128xf32, #tpu.memory_space<vmem>>
    %dma_start3A_69 = arith.constant 0 : i32
    %dma_start3A_70 = tpu.memref_slice %arg5[%dma_start3A_62, %dma_start3A_69] : memref<128x50xi32, #tpu.memory_space<vmem>> -> memref<1x50xi32, #tpu.memory_space<vmem>>
    %dma_start3A_71 = tpu.memref_squeeze %dma_start3A_70 : memref<1x50xi32, #tpu.memory_space<vmem>> -> memref<50xi32, #tpu.memory_space<vmem>>
    %dma_start3A_72 = arith.constant 0 : i32
    %dma_start3A_73 = arith.constant 0 : i32
    %dma_start3A_74 = tpu.memref_slice %arg3[%dma_start3A_72, %dma_start3A_73] : memref<100000x128xf32, #tpu.memory_space<hbm>> -> memref<100000x128xf32, #tpu.memory_space<hbm>>
    %dma_start3A_75 = tpu.memref_slice %arg8[%dma_start3A_64] : memref<8x!tpu.dma_semaphore, #tpu.memory_space<semaphore_mem>> -> memref<1x!tpu.dma_semaphore, #tpu.memory_space<semaphore_mem>>
    %dma_start3A_76 = tpu.memref_squeeze %dma_start3A_75 : memref<1x!tpu.dma_semaphore, #tpu.memory_space<semaphore_mem>> -> memref<!tpu.dma_semaphore, #tpu.memory_space<semaphore_mem>>
    tpu.enqueue_indirect_dma source(%dma_start3A_74 : memref<100000x128xf32, #tpu.memory_space<hbm>>) target(%dma_start3A_68 : memref<50x128xf32, #tpu.memory_space<vmem>>) offsets(%dma_start3A_71 : memref<50xi32, #tpu.memory_space<vmem>>) semaphore(%dma_start3A_76 : memref<!tpu.dma_semaphore, #tpu.memory_space<semaphore_mem>>)
    %dma_start3A_77 = arith.constant 5 : i32
    %dma_start3A_78 = arith.constant 5 : i32
    %dma_start3A_79 = arith.constant 5 : i32
    %dma_start3A_80 = arith.constant 0 : i32
    %dma_start3A_81 = arith.constant 0 : i32
    %dma_start3A_82 = tpu.memref_slice %arg6[%dma_start3A_78, %dma_start3A_80, %dma_start3A_81] : memref<8x50x128xf32, #tpu.memory_space<vmem>> -> memref<1x50x128xf32, #tpu.memory_space<vmem>>
    %dma_start3A_83 = tpu.memref_squeeze %dma_start3A_82 : memref<1x50x128xf32, #tpu.memory_space<vmem>> -> memref<50x128xf32, #tpu.memory_space<vmem>>
    %dma_start3A_84 = arith.constant 0 : i32
    %dma_start3A_85 = tpu.memref_slice %arg5[%dma_start3A_77, %dma_start3A_84] : memref<128x50xi32, #tpu.memory_space<vmem>> -> memref<1x50xi32, #tpu.memory_space<vmem>>
    %dma_start3A_86 = tpu.memref_squeeze %dma_start3A_85 : memref<1x50xi32, #tpu.memory_space<vmem>> -> memref<50xi32, #tpu.memory_space<vmem>>
    %dma_start3A_87 = arith.constant 0 : i32
    %dma_start3A_88 = arith.constant 0 : i32
    %dma_start3A_89 = tpu.memref_slice %arg3[%dma_start3A_87, %dma_start3A_88] : memref<100000x128xf32, #tpu.memory_space<hbm>> -> memref<100000x128xf32, #tpu.memory_space<hbm>>
    %dma_start3A_90 = tpu.memref_slice %arg8[%dma_start3A_79] : memref<8x!tpu.dma_semaphore, #tpu.memory_space<semaphore_mem>> -> memref<1x!tpu.dma_semaphore, #tpu.memory_space<semaphore_mem>>
    %dma_start3A_91 = tpu.memref_squeeze %dma_start3A_90 : memref<1x!tpu.dma_semaphore, #tpu.memory_space<semaphore_mem>> -> memref<!tpu.dma_semaphore, #tpu.memory_space<semaphore_mem>>
    tpu.enqueue_indirect_dma source(%dma_start3A_89 : memref<100000x128xf32, #tpu.memory_space<hbm>>) target(%dma_start3A_83 : memref<50x128xf32, #tpu.memory_space<vmem>>) offsets(%dma_start3A_86 : memref<50xi32, #tpu.memory_space<vmem>>) semaphore(%dma_start3A_91 : memref<!tpu.dma_semaphore, #tpu.memory_space<semaphore_mem>>)
    %dma_start3A_92 = arith.constant 6 : i32
    %dma_start3A_93 = arith.constant 6 : i32
    %dma_start3A_94 = arith.constant 6 : i32
    %dma_start3A_95 = arith.constant 0 : i32
    %dma_start3A_96 = arith.constant 0 : i32
    %dma_start3A_97 = tpu.memref_slice %arg6[%dma_start3A_93, %dma_start3A_95, %dma_start3A_96] : memref<8x50x128xf32, #tpu.memory_space<vmem>> -> memref<1x50x128xf32, #tpu.memory_space<vmem>>
    %dma_start3A_98 = tpu.memref_squeeze %dma_start3A_97 : memref<1x50x128xf32, #tpu.memory_space<vmem>> -> memref<50x128xf32, #tpu.memory_space<vmem>>
    %dma_start3A_99 = arith.constant 0 : i32
    %dma_start3A_100 = tpu.memref_slice %arg5[%dma_start3A_92, %dma_start3A_99] : memref<128x50xi32, #tpu.memory_space<vmem>> -> memref<1x50xi32, #tpu.memory_space<vmem>>
    %dma_start3A_101 = tpu.memref_squeeze %dma_start3A_100 : memref<1x50xi32, #tpu.memory_space<vmem>> -> memref<50xi32, #tpu.memory_space<vmem>>
    %dma_start3A_102 = arith.constant 0 : i32
    %dma_start3A_103 = arith.constant 0 : i32
    %dma_start3A_104 = tpu.memref_slice %arg3[%dma_start3A_102, %dma_start3A_103] : memref<100000x128xf32, #tpu.memory_space<hbm>> -> memref<100000x128xf32, #tpu.memory_space<hbm>>
    %dma_start3A_105 = tpu.memref_slice %arg8[%dma_start3A_94] : memref<8x!tpu.dma_semaphore, #tpu.memory_space<semaphore_mem>> -> memref<1x!tpu.dma_semaphore, #tpu.memory_space<semaphore_mem>>
    %dma_start3A_106 = tpu.memref_squeeze %dma_start3A_105 : memref<1x!tpu.dma_semaphore, #tpu.memory_space<semaphore_mem>> -> memref<!tpu.dma_semaphore, #tpu.memory_space<semaphore_mem>>
    tpu.enqueue_indirect_dma source(%dma_start3A_104 : memref<100000x128xf32, #tpu.memory_space<hbm>>) target(%dma_start3A_98 : memref<50x128xf32, #tpu.memory_space<vmem>>) offsets(%dma_start3A_101 : memref<50xi32, #tpu.memory_space<vmem>>) semaphore(%dma_start3A_106 : memref<!tpu.dma_semaphore, #tpu.memory_space<semaphore_mem>>)
    %dma_start3A_107 = arith.constant 7 : i32
    %dma_start3A_108 = arith.constant 7 : i32
    %dma_start3A_109 = arith.constant 7 : i32
    %dma_start3A_110 = arith.constant 0 : i32
    %dma_start3A_111 = arith.constant 0 : i32
    %dma_start3A_112 = tpu.memref_slice %arg6[%dma_start3A_108, %dma_start3A_110, %dma_start3A_111] : memref<8x50x128xf32, #tpu.memory_space<vmem>> -> memref<1x50x128xf32, #tpu.memory_space<vmem>>
    %dma_start3A_113 = tpu.memref_squeeze %dma_start3A_112 : memref<1x50x128xf32, #tpu.memory_space<vmem>> -> memref<50x128xf32, #tpu.memory_space<vmem>>
    %dma_start3A_114 = arith.constant 0 : i32
    %dma_start3A_115 = tpu.memref_slice %arg5[%dma_start3A_107, %dma_start3A_114] : memref<128x50xi32, #tpu.memory_space<vmem>> -> memref<1x50xi32, #tpu.memory_space<vmem>>
    %dma_start3A_116 = tpu.memref_squeeze %dma_start3A_115 : memref<1x50xi32, #tpu.memory_space<vmem>> -> memref<50xi32, #tpu.memory_space<vmem>>
    %dma_start3A_117 = arith.constant 0 : i32
    %dma_start3A_118 = arith.constant 0 : i32
    %dma_start3A_119 = tpu.memref_slice %arg3[%dma_start3A_117, %dma_start3A_118] : memref<100000x128xf32, #tpu.memory_space<hbm>> -> memref<100000x128xf32, #tpu.memory_space<hbm>>
    %dma_start3A_120 = tpu.memref_slice %arg8[%dma_start3A_109] : memref<8x!tpu.dma_semaphore, #tpu.memory_space<semaphore_mem>> -> memref<1x!tpu.dma_semaphore, #tpu.memory_space<semaphore_mem>>
    %dma_start3A_121 = tpu.memref_squeeze %dma_start3A_120 : memref<1x!tpu.dma_semaphore, #tpu.memory_space<semaphore_mem>> -> memref<!tpu.dma_semaphore, #tpu.memory_space<semaphore_mem>>
    tpu.enqueue_indirect_dma source(%dma_start3A_119 : memref<100000x128xf32, #tpu.memory_space<hbm>>) target(%dma_start3A_113 : memref<50x128xf32, #tpu.memory_space<vmem>>) offsets(%dma_start3A_116 : memref<50xi32, #tpu.memory_space<vmem>>) semaphore(%dma_start3A_121 : memref<!tpu.dma_semaphore, #tpu.memory_space<semaphore_mem>>)
    %scan3A = arith.constant 0 : i32
    %scan3A_122 = arith.constant 0 : i32
    %scan3A_123 = arith.constant 128 : i32
    %scan3A_124 = arith.addi %scan3A_122, %scan3A_123 : i32
    %scan3A_125 = arith.constant 1 : i32
    scf.for %scan3A_248 = %scan3A_122 to %scan3A_124 step %scan3A_125  : i32 {
      %rem3A = arith.constant 8 : i32
      %rem3A_249 = arith.remsi %scan3A_248, %rem3A : i32
      %dma_wait3A_250 = arith.constant 0 : i32
      %dma_wait3A_251 = arith.constant 0 : i32
      %dma_wait3A_252 = arith.constant 0 : i32
      %dma_wait3A_253 = tpu.memref_slice %arg6[%rem3A_249, %dma_wait3A_251, %dma_wait3A_252] : memref<8x50x128xf32, #tpu.memory_space<vmem>> -> memref<1x50x128xf32, #tpu.memory_space<vmem>>
      %dma_wait3A_254 = tpu.memref_squeeze %dma_wait3A_253 : memref<1x50x128xf32, #tpu.memory_space<vmem>> -> memref<50x128xf32, #tpu.memory_space<vmem>>
      %dma_wait3A_255 = arith.constant 0 : i32
      %dma_wait3A_256 = tpu.memref_slice %arg5[%dma_wait3A_250, %dma_wait3A_255] : memref<128x50xi32, #tpu.memory_space<vmem>> -> memref<1x50xi32, #tpu.memory_space<vmem>>
      %dma_wait3A_257 = tpu.memref_squeeze %dma_wait3A_256 : memref<1x50xi32, #tpu.memory_space<vmem>> -> memref<50xi32, #tpu.memory_space<vmem>>
      %dma_wait3A_258 = arith.constant 0 : i32
      %dma_wait3A_259 = arith.constant 0 : i32
      %dma_wait3A_260 = tpu.memref_slice %arg3[%dma_wait3A_258, %dma_wait3A_259] : memref<100000x128xf32, #tpu.memory_space<hbm>> -> memref<100000x128xf32, #tpu.memory_space<hbm>>
      %dma_wait3A_261 = tpu.memref_slice %arg8[%rem3A_249] : memref<8x!tpu.dma_semaphore, #tpu.memory_space<semaphore_mem>> -> memref<1x!tpu.dma_semaphore, #tpu.memory_space<semaphore_mem>>
      %dma_wait3A_262 = tpu.memref_squeeze %dma_wait3A_261 : memref<1x!tpu.dma_semaphore, #tpu.memory_space<semaphore_mem>> -> memref<!tpu.dma_semaphore, #tpu.memory_space<semaphore_mem>>
      tpu.wait_indirect_dma semaphore(%dma_wait3A_262 : memref<!tpu.dma_semaphore, #tpu.memory_space<semaphore_mem>>) src(%dma_wait3A_260 : memref<100000x128xf32, #tpu.memory_space<hbm>>) dst(%dma_wait3A_254 : memref<50x128xf32, #tpu.memory_space<vmem>>)
      %broadcast_in_dim3A = arith.constant 0.000000e+00 : f32
      %broadcast_in_dim3A_263 = vector.broadcast %broadcast_in_dim3A : f32 to vector<16xf32>
      %broadcast_in_dim3A_264 = arith.constant 0.000000e+00 : f32
      %broadcast_in_dim3A_265 = vector.broadcast %broadcast_in_dim3A_264 : f32 to vector<16xf32>
      %broadcast_in_dim3A_266 = arith.constant 0.000000e+00 : f32
      %broadcast_in_dim3A_267 = vector.broadcast %broadcast_in_dim3A_266 : f32 to vector<16xf32>
      %broadcast_in_dim3A_268 = arith.constant 0.000000e+00 : f32
      %broadcast_in_dim3A_269 = vector.broadcast %broadcast_in_dim3A_268 : f32 to vector<16xf32>
      %broadcast_in_dim3A_270 = arith.constant 0.000000e+00 : f32
      %broadcast_in_dim3A_271 = vector.broadcast %broadcast_in_dim3A_270 : f32 to vector<16xf32>
      %broadcast_in_dim3A_272 = arith.constant 0.000000e+00 : f32
      %broadcast_in_dim3A_273 = vector.broadcast %broadcast_in_dim3A_272 : f32 to vector<16xf32>
      %broadcast_in_dim3A_274 = arith.constant 0.000000e+00 : f32
      %broadcast_in_dim3A_275 = vector.broadcast %broadcast_in_dim3A_274 : f32 to vector<16xf32>
      %broadcast_in_dim3A_276 = arith.constant 0.000000e+00 : f32
      %broadcast_in_dim3A_277 = vector.broadcast %broadcast_in_dim3A_276 : f32 to vector<16xf32>
      %scan3A_278 = arith.constant 0 : i32
      %scan3A_279 = arith.constant 50 : i32
      %scan3A_280 = arith.addi %scan3A_278, %scan3A_279 : i32
      %scan3A_281 = arith.constant 1 : i32
      %scan3A_282:8 = scf.for %scan3A_339 = %scan3A_278 to %scan3A_280 step %scan3A_281 iter_args(%scan3A_340 = %broadcast_in_dim3A_263, %scan3A_341 = %broadcast_in_dim3A_265, %scan3A_342 = %broadcast_in_dim3A_267, %scan3A_343 = %broadcast_in_dim3A_269, %scan3A_344 = %broadcast_in_dim3A_271, %scan3A_345 = %broadcast_in_dim3A_273, %scan3A_346 = %broadcast_in_dim3A_275, %scan3A_347 = %broadcast_in_dim3A_277) -> (vector<16xf32>, vector<16xf32>, vector<16xf32>, vector<16xf32>, vector<16xf32>, vector<16xf32>, vector<16xf32>, vector<16xf32>)  : i32 {
        %get3A = arith.index_cast %rem3A_249 : i32 to index
        %get3A_348 = arith.index_cast %scan3A_339 : i32 to index
        %get3A_349 = arith.constant 0 : index
        %get3A_350 = tpu.vector_load %arg6[%get3A, %get3A_348, %get3A_349] {strides = array<i32>} : memref<8x50x128xf32, #tpu.memory_space<vmem>>, vector<1x1x16xf32>,
        %get3A_351 = vector.shape_cast %get3A_350 : vector<1x1x16xf32> to vector<16xf32>
        %add3A_352 = arith.addf %scan3A_340, %get3A_351 : vector<16xf32>
        %get3A_353 = arith.index_cast %rem3A_249 : i32 to index
        %get3A_354 = arith.index_cast %scan3A_339 : i32 to index
        %get3A_355 = arith.constant 16 : index
        %get3A_356 = tpu.vector_load %arg6[%get3A_353, %get3A_354, %get3A_355] {strides = array<i32>} : memref<8x50x128xf32, #tpu.memory_space<vmem>>, vector<1x1x16xf32>,
        %get3A_357 = vector.shape_cast %get3A_356 : vector<1x1x16xf32> to vector<16xf32>
        %add3A_358 = arith.addf %scan3A_341, %get3A_357 : vector<16xf32>
        %get3A_359 = arith.index_cast %rem3A_249 : i32 to index
        %get3A_360 = arith.index_cast %scan3A_339 : i32 to index
        %get3A_361 = arith.constant 32 : index
        %get3A_362 = tpu.vector_load %arg6[%get3A_359, %get3A_360, %get3A_361] {strides = array<i32>} : memref<8x50x128xf32, #tpu.memory_space<vmem>>, vector<1x1x16xf32>,
        %get3A_363 = vector.shape_cast %get3A_362 : vector<1x1x16xf32> to vector<16xf32>
        %add3A_364 = arith.addf %scan3A_342, %get3A_363 : vector<16xf32>
        %get3A_365 = arith.index_cast %rem3A_249 : i32 to index
        %get3A_366 = arith.index_cast %scan3A_339 : i32 to index
        %get3A_367 = arith.constant 48 : index
        %get3A_368 = tpu.vector_load %arg6[%get3A_365, %get3A_366, %get3A_367] {strides = array<i32>} : memref<8x50x128xf32, #tpu.memory_space<vmem>>, vector<1x1x16xf32>,
        %get3A_369 = vector.shape_cast %get3A_368 : vector<1x1x16xf32> to vector<16xf32>
        %add3A_370 = arith.addf %scan3A_343, %get3A_369 : vector<16xf32>
        %get3A_371 = arith.index_cast %rem3A_249 : i32 to index
        %get3A_372 = arith.index_cast %scan3A_339 : i32 to index
        %get3A_373 = arith.constant 64 : index
        %get3A_374 = tpu.vector_load %arg6[%get3A_371, %get3A_372, %get3A_373] {strides = array<i32>} : memref<8x50x128xf32, #tpu.memory_space<vmem>>, vector<1x1x16xf32>,
        %get3A_375 = vector.shape_cast %get3A_374 : vector<1x1x16xf32> to vector<16xf32>
        %add3A_376 = arith.addf %scan3A_344, %get3A_375 : vector<16xf32>
        %get3A_377 = arith.index_cast %rem3A_249 : i32 to index
        %get3A_378 = arith.index_cast %scan3A_339 : i32 to index
        %get3A_379 = arith.constant 80 : index
        %get3A_380 = tpu.vector_load %arg6[%get3A_377, %get3A_378, %get3A_379] {strides = array<i32>} : memref<8x50x128xf32, #tpu.memory_space<vmem>>, vector<1x1x16xf32>,
        %get3A_381 = vector.shape_cast %get3A_380 : vector<1x1x16xf32> to vector<16xf32>
        %add3A_382 = arith.addf %scan3A_345, %get3A_381 : vector<16xf32>
        %get3A_383 = arith.index_cast %rem3A_249 : i32 to index
        %get3A_384 = arith.index_cast %scan3A_339 : i32 to index
        %get3A_385 = arith.constant 96 : index
        %get3A_386 = tpu.vector_load %arg6[%get3A_383, %get3A_384, %get3A_385] {strides = array<i32>} : memref<8x50x128xf32, #tpu.memory_space<vmem>>, vector<1x1x16xf32>,
        %get3A_387 = vector.shape_cast %get3A_386 : vector<1x1x16xf32> to vector<16xf32>
        %add3A_388 = arith.addf %scan3A_346, %get3A_387 : vector<16xf32>
        %get3A_389 = arith.index_cast %rem3A_249 : i32 to index
        %get3A_390 = arith.index_cast %scan3A_339 : i32 to index
        %get3A_391 = arith.constant 112 : index
        %get3A_392 = tpu.vector_load %arg6[%get3A_389, %get3A_390, %get3A_391] {strides = array<i32>} : memref<8x50x128xf32, #tpu.memory_space<vmem>>, vector<1x1x16xf32>,
        %get3A_393 = vector.shape_cast %get3A_392 : vector<1x1x16xf32> to vector<16xf32>
        %add3A_394 = arith.addf %scan3A_347, %get3A_393 : vector<16xf32>
        scf.yield %add3A_352, %add3A_358, %add3A_364, %add3A_370, %add3A_376, %add3A_382, %add3A_388, %add3A_394 : vector<16xf32>, vector<16xf32>, vector<16xf32>, vector<16xf32>, vector<16xf32>, vector<16xf32>, vector<16xf32>, vector<16xf32>
      }
      %scan3A_283 = arith.constant 50 : i32
      %swap3A = arith.index_cast %scan3A_248 : i32 to index
      %swap3A_284 = arith.constant 0 : index
      %swap3A_285 = tpu.vector_load %arg7[%swap3A, %swap3A_284] {strides = array<i32>} : memref<128x128xf32, #tpu.memory_space<vmem>>, vector<1x16xf32>,
      %swap3A_286 = vector.shape_cast %swap3A_285 : vector<1x16xf32> to vector<16xf32>
      %swap3A_287 = vector.shape_cast %scan3A_282#0 : vector<16xf32> to vector<1x16xf32>
      tpu.vector_store %arg7[%swap3A, %swap3A_284], %swap3A_287 {strides = array<i32>} : memref<128x128xf32, #tpu.memory_space<vmem>>, vector<1x16xf32>,
      %swap3A_288 = arith.index_cast %scan3A_248 : i32 to index
      %swap3A_289 = arith.constant 16 : index
      %swap3A_290 = tpu.vector_load %arg7[%swap3A_288, %swap3A_289] {strides = array<i32>} : memref<128x128xf32, #tpu.memory_space<vmem>>, vector<1x16xf32>,
      %swap3A_291 = vector.shape_cast %swap3A_290 : vector<1x16xf32> to vector<16xf32>
      %swap3A_292 = vector.shape_cast %scan3A_282#1 : vector<16xf32> to vector<1x16xf32>
      tpu.vector_store %arg7[%swap3A_288, %swap3A_289], %swap3A_292 {strides = array<i32>} : memref<128x128xf32, #tpu.memory_space<vmem>>, vector<1x16xf32>,
      %swap3A_293 = arith.index_cast %scan3A_248 : i32 to index
      %swap3A_294 = arith.constant 32 : index
      %swap3A_295 = tpu.vector_load %arg7[%swap3A_293, %swap3A_294] {strides = array<i32>} : memref<128x128xf32, #tpu.memory_space<vmem>>, vector<1x16xf32>,
      %swap3A_296 = vector.shape_cast %swap3A_295 : vector<1x16xf32> to vector<16xf32>
      %swap3A_297 = vector.shape_cast %scan3A_282#2 : vector<16xf32> to vector<1x16xf32>
      tpu.vector_store %arg7[%swap3A_293, %swap3A_294], %swap3A_297 {strides = array<i32>} : memref<128x128xf32, #tpu.memory_space<vmem>>, vector<1x16xf32>,
      %swap3A_298 = arith.index_cast %scan3A_248 : i32 to index
      %swap3A_299 = arith.constant 48 : index
      %swap3A_300 = tpu.vector_load %arg7[%swap3A_298, %swap3A_299] {strides = array<i32>} : memref<128x128xf32, #tpu.memory_space<vmem>>, vector<1x16xf32>,
      %swap3A_301 = vector.shape_cast %swap3A_300 : vector<1x16xf32> to vector<16xf32>
      %swap3A_302 = vector.shape_cast %scan3A_282#3 : vector<16xf32> to vector<1x16xf32>
      tpu.vector_store %arg7[%swap3A_298, %swap3A_299], %swap3A_302 {strides = array<i32>} : memref<128x128xf32, #tpu.memory_space<vmem>>, vector<1x16xf32>,
      %swap3A_303 = arith.index_cast %scan3A_248 : i32 to index
      %swap3A_304 = arith.constant 64 : index
      %swap3A_305 = tpu.vector_load %arg7[%swap3A_303, %swap3A_304] {strides = array<i32>} : memref<128x128xf32, #tpu.memory_space<vmem>>, vector<1x16xf32>,
      %swap3A_306 = vector.shape_cast %swap3A_305 : vector<1x16xf32> to vector<16xf32>
      %swap3A_307 = vector.shape_cast %scan3A_282#4 : vector<16xf32> to vector<1x16xf32>
      tpu.vector_store %arg7[%swap3A_303, %swap3A_304], %swap3A_307 {strides = array<i32>} : memref<128x128xf32, #tpu.memory_space<vmem>>, vector<1x16xf32>,
      %swap3A_308 = arith.index_cast %scan3A_248 : i32 to index
      %swap3A_309 = arith.constant 80 : index
      %swap3A_310 = tpu.vector_load %arg7[%swap3A_308, %swap3A_309] {strides = array<i32>} : memref<128x128xf32, #tpu.memory_space<vmem>>, vector<1x16xf32>,
      %swap3A_311 = vector.shape_cast %swap3A_310 : vector<1x16xf32> to vector<16xf32>
      %swap3A_312 = vector.shape_cast %scan3A_282#5 : vector<16xf32> to vector<1x16xf32>
      tpu.vector_store %arg7[%swap3A_308, %swap3A_309], %swap3A_312 {strides = array<i32>} : memref<128x128xf32, #tpu.memory_space<vmem>>, vector<1x16xf32>,
      %swap3A_313 = arith.index_cast %scan3A_248 : i32 to index
      %swap3A_314 = arith.constant 96 : index
      %swap3A_315 = tpu.vector_load %arg7[%swap3A_313, %swap3A_314] {strides = array<i32>} : memref<128x128xf32, #tpu.memory_space<vmem>>, vector<1x16xf32>,
      %swap3A_316 = vector.shape_cast %swap3A_315 : vector<1x16xf32> to vector<16xf32>
      %swap3A_317 = vector.shape_cast %scan3A_282#6 : vector<16xf32> to vector<1x16xf32>
      tpu.vector_store %arg7[%swap3A_313, %swap3A_314], %swap3A_317 {strides = array<i32>} : memref<128x128xf32, #tpu.memory_space<vmem>>, vector<1x16xf32>,
      %swap3A_318 = arith.index_cast %scan3A_248 : i32 to index
      %swap3A_319 = arith.constant 112 : index
      %swap3A_320 = tpu.vector_load %arg7[%swap3A_318, %swap3A_319] {strides = array<i32>} : memref<128x128xf32, #tpu.memory_space<vmem>>, vector<1x16xf32>,
      %swap3A_321 = vector.shape_cast %swap3A_320 : vector<1x16xf32> to vector<16xf32>
      %swap3A_322 = vector.shape_cast %scan3A_282#7 : vector<16xf32> to vector<1x16xf32>
      tpu.vector_store %arg7[%swap3A_318, %swap3A_319], %swap3A_322 {strides = array<i32>} : memref<128x128xf32, #tpu.memory_space<vmem>>, vector<1x16xf32>,
      %add3A_323 = arith.constant 8 : i32
      %add3A_324 = arith.addi %scan3A_248, %add3A_323 : i32
      %rem3A_325 = arith.constant 128 : i32
      %rem3A_326 = arith.remsi %add3A_324, %rem3A_325 : i32
      %dma_start3A_327 = arith.constant 0 : i32
      %dma_start3A_328 = arith.constant 0 : i32
      %dma_start3A_329 = tpu.memref_slice %arg6[%rem3A_249, %dma_start3A_327, %dma_start3A_328] : memref<8x50x128xf32, #tpu.memory_space<vmem>> -> memref<1x50x128xf32, #tpu.memory_space<vmem>>
      %dma_start3A_330 = tpu.memref_squeeze %dma_start3A_329 : memref<1x50x128xf32, #tpu.memory_space<vmem>> -> memref<50x128xf32, #tpu.memory_space<vmem>>
      %dma_start3A_331 = arith.constant 0 : i32
      %dma_start3A_332 = tpu.memref_slice %arg5[%rem3A_326, %dma_start3A_331] : memref<128x50xi32, #tpu.memory_space<vmem>> -> memref<1x50xi32, #tpu.memory_space<vmem>>
      %dma_start3A_333 = tpu.memref_squeeze %dma_start3A_332 : memref<1x50xi32, #tpu.memory_space<vmem>> -> memref<50xi32, #tpu.memory_space<vmem>>
      %dma_start3A_334 = arith.constant 0 : i32
      %dma_start3A_335 = arith.constant 0 : i32
      %dma_start3A_336 = tpu.memref_slice %arg3[%dma_start3A_334, %dma_start3A_335] : memref<100000x128xf32, #tpu.memory_space<hbm>> -> memref<100000x128xf32, #tpu.memory_space<hbm>>
      %dma_start3A_337 = tpu.memref_slice %arg8[%rem3A_249] : memref<8x!tpu.dma_semaphore, #tpu.memory_space<semaphore_mem>> -> memref<1x!tpu.dma_semaphore, #tpu.memory_space<semaphore_mem>>
      %dma_start3A_338 = tpu.memref_squeeze %dma_start3A_337 : memref<1x!tpu.dma_semaphore, #tpu.memory_space<semaphore_mem>> -> memref<!tpu.dma_semaphore, #tpu.memory_space<semaphore_mem>>
      tpu.enqueue_indirect_dma source(%dma_start3A_336 : memref<100000x128xf32, #tpu.memory_space<hbm>>) target(%dma_start3A_330 : memref<50x128xf32, #tpu.memory_space<vmem>>) offsets(%dma_start3A_333 : memref<50xi32, #tpu.memory_space<vmem>>) semaphore(%dma_start3A_338 : memref<!tpu.dma_semaphore, #tpu.memory_space<semaphore_mem>>)
    }
    %scan3A_126 = arith.constant 128 : i32
    %dma_wait3A = arith.constant 0 : i32
    %dma_wait3A_127 = arith.constant 0 : i32
    %dma_wait3A_128 = arith.constant 0 : i32
    %dma_wait3A_129 = arith.constant 0 : i32
    %dma_wait3A_130 = arith.constant 0 : i32
    %dma_wait3A_131 = tpu.memref_slice %arg6[%dma_wait3A_127, %dma_wait3A_129, %dma_wait3A_130] : memref<8x50x128xf32, #tpu.memory_space<vmem>> -> memref<1x50x128xf32, #tpu.memory_space<vmem>>
    %dma_wait3A_132 = tpu.memref_squeeze %dma_wait3A_131 : memref<1x50x128xf32, #tpu.memory_space<vmem>> -> memref<50x128xf32, #tpu.memory_space<vmem>>
    %dma_wait3A_133 = arith.constant 0 : i32
    %dma_wait3A_134 = tpu.memref_slice %arg5[%dma_wait3A, %dma_wait3A_133] : memref<128x50xi32, #tpu.memory_space<vmem>> -> memref<1x50xi32, #tpu.memory_space<vmem>>
    %dma_wait3A_135 = tpu.memref_squeeze %dma_wait3A_134 : memref<1x50xi32, #tpu.memory_space<vmem>> -> memref<50xi32, #tpu.memory_space<vmem>>
    %dma_wait3A_136 = arith.constant 0 : i32
    %dma_wait3A_137 = arith.constant 0 : i32
    %dma_wait3A_138 = tpu.memref_slice %arg3[%dma_wait3A_136, %dma_wait3A_137] : memref<100000x128xf32, #tpu.memory_space<hbm>> -> memref<100000x128xf32, #tpu.memory_space<hbm>>
    %dma_wait3A_139 = tpu.memref_slice %arg8[%dma_wait3A_128] : memref<8x!tpu.dma_semaphore, #tpu.memory_space<semaphore_mem>> -> memref<1x!tpu.dma_semaphore, #tpu.memory_space<semaphore_mem>>
    %dma_wait3A_140 = tpu.memref_squeeze %dma_wait3A_139 : memref<1x!tpu.dma_semaphore, #tpu.memory_space<semaphore_mem>> -> memref<!tpu.dma_semaphore, #tpu.memory_space<semaphore_mem>>
    tpu.wait_indirect_dma semaphore(%dma_wait3A_140 : memref<!tpu.dma_semaphore, #tpu.memory_space<semaphore_mem>>) src(%dma_wait3A_138 : memref<100000x128xf32, #tpu.memory_space<hbm>>) dst(%dma_wait3A_132 : memref<50x128xf32, #tpu.memory_space<vmem>>)
    %dma_wait3A_141 = arith.constant 0 : i32
    %dma_wait3A_142 = arith.constant 1 : i32
    %dma_wait3A_143 = arith.constant 1 : i32
    %dma_wait3A_144 = arith.constant 0 : i32
    %dma_wait3A_145 = arith.constant 0 : i32
    %dma_wait3A_146 = tpu.memref_slice %arg6[%dma_wait3A_142, %dma_wait3A_144, %dma_wait3A_145] : memref<8x50x128xf32, #tpu.memory_space<vmem>> -> memref<1x50x128xf32, #tpu.memory_space<vmem>>
    %dma_wait3A_147 = tpu.memref_squeeze %dma_wait3A_146 : memref<1x50x128xf32, #tpu.memory_space<vmem>> -> memref<50x128xf32, #tpu.memory_space<vmem>>
    %dma_wait3A_148 = arith.constant 0 : i32
    %dma_wait3A_149 = tpu.memref_slice %arg5[%dma_wait3A_141, %dma_wait3A_148] : memref<128x50xi32, #tpu.memory_space<vmem>> -> memref<1x50xi32, #tpu.memory_space<vmem>>
    %dma_wait3A_150 = tpu.memref_squeeze %dma_wait3A_149 : memref<1x50xi32, #tpu.memory_space<vmem>> -> memref<50xi32, #tpu.memory_space<vmem>>
    %dma_wait3A_151 = arith.constant 0 : i32
    %dma_wait3A_152 = arith.constant 0 : i32
    %dma_wait3A_153 = tpu.memref_slice %arg3[%dma_wait3A_151, %dma_wait3A_152] : memref<100000x128xf32, #tpu.memory_space<hbm>> -> memref<100000x128xf32, #tpu.memory_space<hbm>>
    %dma_wait3A_154 = tpu.memref_slice %arg8[%dma_wait3A_143] : memref<8x!tpu.dma_semaphore, #tpu.memory_space<semaphore_mem>> -> memref<1x!tpu.dma_semaphore, #tpu.memory_space<semaphore_mem>>
    %dma_wait3A_155 = tpu.memref_squeeze %dma_wait3A_154 : memref<1x!tpu.dma_semaphore, #tpu.memory_space<semaphore_mem>> -> memref<!tpu.dma_semaphore, #tpu.memory_space<semaphore_mem>>
    tpu.wait_indirect_dma semaphore(%dma_wait3A_155 : memref<!tpu.dma_semaphore, #tpu.memory_space<semaphore_mem>>) src(%dma_wait3A_153 : memref<100000x128xf32, #tpu.memory_space<hbm>>) dst(%dma_wait3A_147 : memref<50x128xf32, #tpu.memory_space<vmem>>)
    %dma_wait3A_156 = arith.constant 0 : i32
    %dma_wait3A_157 = arith.constant 2 : i32
    %dma_wait3A_158 = arith.constant 2 : i32
    %dma_wait3A_159 = arith.constant 0 : i32
    %dma_wait3A_160 = arith.constant 0 : i32
    %dma_wait3A_161 = tpu.memref_slice %arg6[%dma_wait3A_157, %dma_wait3A_159, %dma_wait3A_160] : memref<8x50x128xf32, #tpu.memory_space<vmem>> -> memref<1x50x128xf32, #tpu.memory_space<vmem>>
    %dma_wait3A_162 = tpu.memref_squeeze %dma_wait3A_161 : memref<1x50x128xf32, #tpu.memory_space<vmem>> -> memref<50x128xf32, #tpu.memory_space<vmem>>
    %dma_wait3A_163 = arith.constant 0 : i32
    %dma_wait3A_164 = tpu.memref_slice %arg5[%dma_wait3A_156, %dma_wait3A_163] : memref<128x50xi32, #tpu.memory_space<vmem>> -> memref<1x50xi32, #tpu.memory_space<vmem>>
    %dma_wait3A_165 = tpu.memref_squeeze %dma_wait3A_164 : memref<1x50xi32, #tpu.memory_space<vmem>> -> memref<50xi32, #tpu.memory_space<vmem>>
    %dma_wait3A_166 = arith.constant 0 : i32
    %dma_wait3A_167 = arith.constant 0 : i32
    %dma_wait3A_168 = tpu.memref_slice %arg3[%dma_wait3A_166, %dma_wait3A_167] : memref<100000x128xf32, #tpu.memory_space<hbm>> -> memref<100000x128xf32, #tpu.memory_space<hbm>>
    %dma_wait3A_169 = tpu.memref_slice %arg8[%dma_wait3A_158] : memref<8x!tpu.dma_semaphore, #tpu.memory_space<semaphore_mem>> -> memref<1x!tpu.dma_semaphore, #tpu.memory_space<semaphore_mem>>
    %dma_wait3A_170 = tpu.memref_squeeze %dma_wait3A_169 : memref<1x!tpu.dma_semaphore, #tpu.memory_space<semaphore_mem>> -> memref<!tpu.dma_semaphore, #tpu.memory_space<semaphore_mem>>
    tpu.wait_indirect_dma semaphore(%dma_wait3A_170 : memref<!tpu.dma_semaphore, #tpu.memory_space<semaphore_mem>>) src(%dma_wait3A_168 : memref<100000x128xf32, #tpu.memory_space<hbm>>) dst(%dma_wait3A_162 : memref<50x128xf32, #tpu.memory_space<vmem>>)
    %dma_wait3A_171 = arith.constant 0 : i32
    %dma_wait3A_172 = arith.constant 3 : i32
    %dma_wait3A_173 = arith.constant 3 : i32
    %dma_wait3A_174 = arith.constant 0 : i32
    %dma_wait3A_175 = arith.constant 0 : i32
    %dma_wait3A_176 = tpu.memref_slice %arg6[%dma_wait3A_172, %dma_wait3A_174, %dma_wait3A_175] : memref<8x50x128xf32, #tpu.memory_space<vmem>> -> memref<1x50x128xf32, #tpu.memory_space<vmem>>
    %dma_wait3A_177 = tpu.memref_squeeze %dma_wait3A_176 : memref<1x50x128xf32, #tpu.memory_space<vmem>> -> memref<50x128xf32, #tpu.memory_space<vmem>>
    %dma_wait3A_178 = arith.constant 0 : i32
    %dma_wait3A_179 = tpu.memref_slice %arg5[%dma_wait3A_171, %dma_wait3A_178] : memref<128x50xi32, #tpu.memory_space<vmem>> -> memref<1x50xi32, #tpu.memory_space<vmem>>
    %dma_wait3A_180 = tpu.memref_squeeze %dma_wait3A_179 : memref<1x50xi32, #tpu.memory_space<vmem>> -> memref<50xi32, #tpu.memory_space<vmem>>
    %dma_wait3A_181 = arith.constant 0 : i32
    %dma_wait3A_182 = arith.constant 0 : i32
    %dma_wait3A_183 = tpu.memref_slice %arg3[%dma_wait3A_181, %dma_wait3A_182] : memref<100000x128xf32, #tpu.memory_space<hbm>> -> memref<100000x128xf32, #tpu.memory_space<hbm>>
    %dma_wait3A_184 = tpu.memref_slice %arg8[%dma_wait3A_173] : memref<8x!tpu.dma_semaphore, #tpu.memory_space<semaphore_mem>> -> memref<1x!tpu.dma_semaphore, #tpu.memory_space<semaphore_mem>>
    %dma_wait3A_185 = tpu.memref_squeeze %dma_wait3A_184 : memref<1x!tpu.dma_semaphore, #tpu.memory_space<semaphore_mem>> -> memref<!tpu.dma_semaphore, #tpu.memory_space<semaphore_mem>>
    tpu.wait_indirect_dma semaphore(%dma_wait3A_185 : memref<!tpu.dma_semaphore, #tpu.memory_space<semaphore_mem>>) src(%dma_wait3A_183 : memref<100000x128xf32, #tpu.memory_space<hbm>>) dst(%dma_wait3A_177 : memref<50x128xf32, #tpu.memory_space<vmem>>)
    %dma_wait3A_186 = arith.constant 0 : i32
    %dma_wait3A_187 = arith.constant 4 : i32
    %dma_wait3A_188 = arith.constant 4 : i32
    %dma_wait3A_189 = arith.constant 0 : i32
    %dma_wait3A_190 = arith.constant 0 : i32
    %dma_wait3A_191 = tpu.memref_slice %arg6[%dma_wait3A_187, %dma_wait3A_189, %dma_wait3A_190] : memref<8x50x128xf32, #tpu.memory_space<vmem>> -> memref<1x50x128xf32, #tpu.memory_space<vmem>>
    %dma_wait3A_192 = tpu.memref_squeeze %dma_wait3A_191 : memref<1x50x128xf32, #tpu.memory_space<vmem>> -> memref<50x128xf32, #tpu.memory_space<vmem>>
    %dma_wait3A_193 = arith.constant 0 : i32
    %dma_wait3A_194 = tpu.memref_slice %arg5[%dma_wait3A_186, %dma_wait3A_193] : memref<128x50xi32, #tpu.memory_space<vmem>> -> memref<1x50xi32, #tpu.memory_space<vmem>>
    %dma_wait3A_195 = tpu.memref_squeeze %dma_wait3A_194 : memref<1x50xi32, #tpu.memory_space<vmem>> -> memref<50xi32, #tpu.memory_space<vmem>>
    %dma_wait3A_196 = arith.constant 0 : i32
    %dma_wait3A_197 = arith.constant 0 : i32
    %dma_wait3A_198 = tpu.memref_slice %arg3[%dma_wait3A_196, %dma_wait3A_197] : memref<100000x128xf32, #tpu.memory_space<hbm>> -> memref<100000x128xf32, #tpu.memory_space<hbm>>
    %dma_wait3A_199 = tpu.memref_slice %arg8[%dma_wait3A_188] : memref<8x!tpu.dma_semaphore, #tpu.memory_space<semaphore_mem>> -> memref<1x!tpu.dma_semaphore, #tpu.memory_space<semaphore_mem>>
    %dma_wait3A_200 = tpu.memref_squeeze %dma_wait3A_199 : memref<1x!tpu.dma_semaphore, #tpu.memory_space<semaphore_mem>> -> memref<!tpu.dma_semaphore, #tpu.memory_space<semaphore_mem>>
    tpu.wait_indirect_dma semaphore(%dma_wait3A_200 : memref<!tpu.dma_semaphore, #tpu.memory_space<semaphore_mem>>) src(%dma_wait3A_198 : memref<100000x128xf32, #tpu.memory_space<hbm>>) dst(%dma_wait3A_192 : memref<50x128xf32, #tpu.memory_space<vmem>>)
    %dma_wait3A_201 = arith.constant 0 : i32
    %dma_wait3A_202 = arith.constant 5 : i32
    %dma_wait3A_203 = arith.constant 5 : i32
    %dma_wait3A_204 = arith.constant 0 : i32
    %dma_wait3A_205 = arith.constant 0 : i32
    %dma_wait3A_206 = tpu.memref_slice %arg6[%dma_wait3A_202, %dma_wait3A_204, %dma_wait3A_205] : memref<8x50x128xf32, #tpu.memory_space<vmem>> -> memref<1x50x128xf32, #tpu.memory_space<vmem>>
    %dma_wait3A_207 = tpu.memref_squeeze %dma_wait3A_206 : memref<1x50x128xf32, #tpu.memory_space<vmem>> -> memref<50x128xf32, #tpu.memory_space<vmem>>
    %dma_wait3A_208 = arith.constant 0 : i32
    %dma_wait3A_209 = tpu.memref_slice %arg5[%dma_wait3A_201, %dma_wait3A_208] : memref<128x50xi32, #tpu.memory_space<vmem>> -> memref<1x50xi32, #tpu.memory_space<vmem>>
    %dma_wait3A_210 = tpu.memref_squeeze %dma_wait3A_209 : memref<1x50xi32, #tpu.memory_space<vmem>> -> memref<50xi32, #tpu.memory_space<vmem>>
    %dma_wait3A_211 = arith.constant 0 : i32
    %dma_wait3A_212 = arith.constant 0 : i32
    %dma_wait3A_213 = tpu.memref_slice %arg3[%dma_wait3A_211, %dma_wait3A_212] : memref<100000x128xf32, #tpu.memory_space<hbm>> -> memref<100000x128xf32, #tpu.memory_space<hbm>>
    %dma_wait3A_214 = tpu.memref_slice %arg8[%dma_wait3A_203] : memref<8x!tpu.dma_semaphore, #tpu.memory_space<semaphore_mem>> -> memref<1x!tpu.dma_semaphore, #tpu.memory_space<semaphore_mem>>
    %dma_wait3A_215 = tpu.memref_squeeze %dma_wait3A_214 : memref<1x!tpu.dma_semaphore, #tpu.memory_space<semaphore_mem>> -> memref<!tpu.dma_semaphore, #tpu.memory_space<semaphore_mem>>
    tpu.wait_indirect_dma semaphore(%dma_wait3A_215 : memref<!tpu.dma_semaphore, #tpu.memory_space<semaphore_mem>>) src(%dma_wait3A_213 : memref<100000x128xf32, #tpu.memory_space<hbm>>) dst(%dma_wait3A_207 : memref<50x128xf32, #tpu.memory_space<vmem>>)
    %dma_wait3A_216 = arith.constant 0 : i32
    %dma_wait3A_217 = arith.constant 6 : i32
    %dma_wait3A_218 = arith.constant 6 : i32
    %dma_wait3A_219 = arith.constant 0 : i32
    %dma_wait3A_220 = arith.constant 0 : i32
    %dma_wait3A_221 = tpu.memref_slice %arg6[%dma_wait3A_217, %dma_wait3A_219, %dma_wait3A_220] : memref<8x50x128xf32, #tpu.memory_space<vmem>> -> memref<1x50x128xf32, #tpu.memory_space<vmem>>
    %dma_wait3A_222 = tpu.memref_squeeze %dma_wait3A_221 : memref<1x50x128xf32, #tpu.memory_space<vmem>> -> memref<50x128xf32, #tpu.memory_space<vmem>>
    %dma_wait3A_223 = arith.constant 0 : i32
    %dma_wait3A_224 = tpu.memref_slice %arg5[%dma_wait3A_216, %dma_wait3A_223] : memref<128x50xi32, #tpu.memory_space<vmem>> -> memref<1x50xi32, #tpu.memory_space<vmem>>
    %dma_wait3A_225 = tpu.memref_squeeze %dma_wait3A_224 : memref<1x50xi32, #tpu.memory_space<vmem>> -> memref<50xi32, #tpu.memory_space<vmem>>
    %dma_wait3A_226 = arith.constant 0 : i32
    %dma_wait3A_227 = arith.constant 0 : i32
    %dma_wait3A_228 = tpu.memref_slice %arg3[%dma_wait3A_226, %dma_wait3A_227] : memref<100000x128xf32, #tpu.memory_space<hbm>> -> memref<100000x128xf32, #tpu.memory_space<hbm>>
    %dma_wait3A_229 = tpu.memref_slice %arg8[%dma_wait3A_218] : memref<8x!tpu.dma_semaphore, #tpu.memory_space<semaphore_mem>> -> memref<1x!tpu.dma_semaphore, #tpu.memory_space<semaphore_mem>>
    %dma_wait3A_230 = tpu.memref_squeeze %dma_wait3A_229 : memref<1x!tpu.dma_semaphore, #tpu.memory_space<semaphore_mem>> -> memref<!tpu.dma_semaphore, #tpu.memory_space<semaphore_mem>>
    tpu.wait_indirect_dma semaphore(%dma_wait3A_230 : memref<!tpu.dma_semaphore, #tpu.memory_space<semaphore_mem>>) src(%dma_wait3A_228 : memref<100000x128xf32, #tpu.memory_space<hbm>>) dst(%dma_wait3A_222 : memref<50x128xf32, #tpu.memory_space<vmem>>)
    %dma_wait3A_231 = arith.constant 0 : i32
    %dma_wait3A_232 = arith.constant 7 : i32
    %dma_wait3A_233 = arith.constant 7 : i32
    %dma_wait3A_234 = arith.constant 0 : i32
    %dma_wait3A_235 = arith.constant 0 : i32
    %dma_wait3A_236 = tpu.memref_slice %arg6[%dma_wait3A_232, %dma_wait3A_234, %dma_wait3A_235] : memref<8x50x128xf32, #tpu.memory_space<vmem>> -> memref<1x50x128xf32, #tpu.memory_space<vmem>>
    %dma_wait3A_237 = tpu.memref_squeeze %dma_wait3A_236 : memref<1x50x128xf32, #tpu.memory_space<vmem>> -> memref<50x128xf32, #tpu.memory_space<vmem>>
    %dma_wait3A_238 = arith.constant 0 : i32
    %dma_wait3A_239 = tpu.memref_slice %arg5[%dma_wait3A_231, %dma_wait3A_238] : memref<128x50xi32, #tpu.memory_space<vmem>> -> memref<1x50xi32, #tpu.memory_space<vmem>>
    %dma_wait3A_240 = tpu.memref_squeeze %dma_wait3A_239 : memref<1x50xi32, #tpu.memory_space<vmem>> -> memref<50xi32, #tpu.memory_space<vmem>>
    %dma_wait3A_241 = arith.constant 0 : i32
    %dma_wait3A_242 = arith.constant 0 : i32
    %dma_wait3A_243 = tpu.memref_slice %arg3[%dma_wait3A_241, %dma_wait3A_242] : memref<100000x128xf32, #tpu.memory_space<hbm>> -> memref<100000x128xf32, #tpu.memory_space<hbm>>
    %dma_wait3A_244 = tpu.memref_slice %arg8[%dma_wait3A_233] : memref<8x!tpu.dma_semaphore, #tpu.memory_space<semaphore_mem>> -> memref<1x!tpu.dma_semaphore, #tpu.memory_space<semaphore_mem>>
    %dma_wait3A_245 = tpu.memref_squeeze %dma_wait3A_244 : memref<1x!tpu.dma_semaphore, #tpu.memory_space<semaphore_mem>> -> memref<!tpu.dma_semaphore, #tpu.memory_space<semaphore_mem>>
    tpu.wait_indirect_dma semaphore(%dma_wait3A_245 : memref<!tpu.dma_semaphore, #tpu.memory_space<semaphore_mem>>) src(%dma_wait3A_243 : memref<100000x128xf32, #tpu.memory_space<hbm>>) dst(%dma_wait3A_237 : memref<50x128xf32, #tpu.memory_space<vmem>>)
    %mul3A_246 = arith.constant 128 : i32
    %mul3A_247 = arith.muli %add3A, %mul3A_246 : i32
    "tpu.region"() ({
      %run_scoped3A = tpu.sem_alloc : memref<!tpu.dma_semaphore, #tpu.memory_space<semaphore_mem>>
      %dma_start3A_248 = arith.constant 0 : i32
      %dma_start3A_249 = tpu.memref_slice %arg4[%mul3A_247, %dma_start3A_248] : memref<4096x128xf32, #tpu.memory_space<hbm>> -> memref<128x128xf32, #tpu.memory_space<hbm>>
      %dma_start3A_250 = arith.constant 0 : i32
      %dma_start3A_251 = tpu.memref_slice %arg4[%mul3A_247, %dma_start3A_250] : memref<4096x128xf32, #tpu.memory_space<hbm>> -> memref<128x128xf32, #tpu.memory_space<hbm>>
      tpu.enqueue_dma source(%arg7 : memref<128x128xf32, #tpu.memory_space<vmem>>) target(%dma_start3A_251 : memref<128x128xf32, #tpu.memory_space<hbm>>) target_semaphore(%run_scoped3A : memref<!tpu.dma_semaphore, #tpu.memory_space<semaphore_mem>>)
      %dma_wait3A_252 = arith.constant 0 : i32
      %dma_wait3A_253 = tpu.memref_slice %arg4[%mul3A_247, %dma_wait3A_252] : memref<4096x128xf32, #tpu.memory_space<hbm>> -> memref<128x128xf32, #tpu.memory_space<hbm>>
      %dma_wait3A_254 = arith.constant 0 : i32
      %dma_wait3A_255 = tpu.memref_slice %arg4[%mul3A_247, %dma_wait3A_254] : memref<4096x128xf32, #tpu.memory_space<hbm>> -> memref<128x128xf32, #tpu.memory_space<hbm>>
      tpu.wait_dma2 semaphore(%run_scoped3A : memref<!tpu.dma_semaphore, #tpu.memory_space<semaphore_mem>>) src(%arg7 : memref<128x128xf32, #tpu.memory_space<vmem>>) dst(%dma_wait3A_255 : memref<128x128xf32, #tpu.memory_space<hbm>>)
      tpu.yield
    }) : () -> ()
    return
  }
}

module attributes {stable_mosaic.version = 14 : i64} {
  func.func @_mlp_body(%arg0: i32, %arg1: memref<4096x128xf32, #tpu.memory_space<vmem>>, %arg2: memref<128x512xbf16, #tpu.memory_space<vmem>>, %arg3: memref<1x512xf32, #tpu.memory_space<vmem>>, %arg4: memref<512x512xbf16, #tpu.memory_space<vmem>>, %arg5: memref<1x512xf32, #tpu.memory_space<vmem>>, %arg6: memref<512x128xbf16, #tpu.memory_space<vmem>>, %arg7: memref<1x128xf32, #tpu.memory_space<vmem>>, %arg8: memref<4096x128xf32, #tpu.memory_space<vmem>>) attributes {dimension_semantics = [#tpu.dimension_semantics<arbitrary>], iteration_bounds = array<i64: 1>, scalar_prefetch = 0 : i64, scratch_operands = 0 : i64, tpu.core_type = #tpu.core_type<tc>, window_params = [{transform_indices = @transform_0, window_bounds = array<i64: 4096, 128>}, {pipeline_mode = #tpu.pipeline_mode<synchronous>, transform_indices = @transform_1, window_bounds = array<i64: 128, 512>}, {pipeline_mode = #tpu.pipeline_mode<synchronous>, transform_indices = @transform_2, window_bounds = array<i64: 1, 512>}, {pipeline_mode = #tpu.pipeline_mode<synchronous>, transform_indices = @transform_3, window_bounds = array<i64: 512, 512>}, {pipeline_mode = #tpu.pipeline_mode<synchronous>, transform_indices = @transform_4, window_bounds = array<i64: 1, 512>}, {pipeline_mode = #tpu.pipeline_mode<synchronous>, transform_indices = @transform_5, window_bounds = array<i64: 512, 128>}, {pipeline_mode = #tpu.pipeline_mode<synchronous>, transform_indices = @transform_6, window_bounds = array<i64: 1, 128>}, {transform_indices = @transform_7, window_bounds = array<i64: 4096, 128>}]} {
    %get3A = arith.constant 0 : index
    %get3A_0 = arith.constant 0 : index
    %get3A_1 = vector.load %arg1[%get3A, %get3A_0] : memref<4096x128xf32, #tpu.memory_space<vmem>>, vector<4096x128xf32>
    %convert_element_type3A = arith.truncf %get3A_1 : vector<4096x128xf32> to vector<4096x128xbf16>
    %get3A_2 = arith.constant 0 : index
    %get3A_3 = arith.constant 0 : index
    %get3A_4 = vector.load %arg2[%get3A_2, %get3A_3] : memref<128x512xbf16, #tpu.memory_space<vmem>>, vector<128x512xbf16>
    %dot_general3A = arith.constant dense<0.000000e+00> : vector<4096x512xf32>
    %dot_general3A_5 = tpu.matmul %convert_element_type3A, %get3A_4, %dot_general3A {dimension_numbers = #tpu.dot_dimension_numbers<[1], [0], [0], [1], [0, 0, 1, 1], [], []>, transpose_lhs_hint = false} : vector<4096x128xbf16>, vector<128x512xbf16>, vector<4096x512xf32> -> vector<4096x512xf32>
    %get3A_6 = arith.constant 0 : index
    %get3A_7 = arith.constant 0 : index
    %get3A_8 = vector.load %arg3[%get3A_6, %get3A_7] : memref<1x512xf32, #tpu.memory_space<vmem>>, vector<1x512xf32>
    %add3A = vector.broadcast %get3A_8 : vector<1x512xf32> to vector<4096x512xf32>
    %add3A_9 = arith.addf %dot_general3A_5, %add3A : vector<4096x512xf32>
    %tanh3A = math.tanh %add3A_9 : vector<4096x512xf32>
    %convert_element_type3A_10 = arith.truncf %tanh3A : vector<4096x512xf32> to vector<4096x512xbf16>
    %get3A_11 = arith.constant 0 : index
    %get3A_12 = arith.constant 0 : index
    %get3A_13 = vector.load %arg4[%get3A_11, %get3A_12] : memref<512x512xbf16, #tpu.memory_space<vmem>>, vector<512x512xbf16>
    %dot_general3A_14 = arith.constant dense<0.000000e+00> : vector<4096x512xf32>
    %dot_general3A_15 = tpu.matmul %convert_element_type3A_10, %get3A_13, %dot_general3A_14 {dimension_numbers = #tpu.dot_dimension_numbers<[1], [0], [0], [1], [0, 0, 1, 1], [], []>, transpose_lhs_hint = false} : vector<4096x512xbf16>, vector<512x512xbf16>, vector<4096x512xf32> -> vector<4096x512xf32>
    %get3A_16 = arith.constant 0 : index
    %get3A_17 = arith.constant 0 : index
    %get3A_18 = vector.load %arg5[%get3A_16, %get3A_17] : memref<1x512xf32, #tpu.memory_space<vmem>>, vector<1x512xf32>
    %add3A_19 = vector.broadcast %get3A_18 : vector<1x512xf32> to vector<4096x512xf32>
    %add3A_20 = arith.addf %dot_general3A_15, %add3A_19 : vector<4096x512xf32>
    %tanh3A_21 = math.tanh %add3A_20 : vector<4096x512xf32>
    %convert_element_type3A_22 = arith.truncf %tanh3A_21 : vector<4096x512xf32> to vector<4096x512xbf16>
    %get3A_23 = arith.constant 0 : index
    %get3A_24 = arith.constant 0 : index
    %get3A_25 = vector.load %arg6[%get3A_23, %get3A_24] : memref<512x128xbf16, #tpu.memory_space<vmem>>, vector<512x128xbf16>
    %dot_general3A_26 = arith.constant dense<0.000000e+00> : vector<4096x128xf32>
    %dot_general3A_27 = tpu.matmul %convert_element_type3A_22, %get3A_25, %dot_general3A_26 {dimension_numbers = #tpu.dot_dimension_numbers<[1], [0], [0], [1], [0, 0, 1, 1], [], []>, transpose_lhs_hint = false} : vector<4096x512xbf16>, vector<512x128xbf16>, vector<4096x128xf32> -> vector<4096x128xf32>
    %get3A_28 = arith.constant 0 : index
    %get3A_29 = arith.constant 0 : index
    %get3A_30 = vector.load %arg7[%get3A_28, %get3A_29] : memref<1x128xf32, #tpu.memory_space<vmem>>, vector<1x128xf32>
    %add3A_31 = vector.broadcast %get3A_30 : vector<1x128xf32> to vector<4096x128xf32>
    %add3A_32 = arith.addf %dot_general3A_27, %add3A_31 : vector<4096x128xf32>
    %swap3A = arith.constant 0 : index
    %swap3A_33 = arith.constant 0 : index
    %swap3A_34 = vector.load %arg8[%swap3A, %swap3A_33] : memref<4096x128xf32, #tpu.memory_space<vmem>>, vector<4096x128xf32>
    tpu.vector_store %arg8[%swap3A, %swap3A_33], %add3A_32 {strides = array<i32>} : memref<4096x128xf32, #tpu.memory_space<vmem>>, vector<4096x128xf32>,
    return
  }
  func.func @transform_0(%arg0: i32) -> (i32, i32) {
    %c0_i32 = arith.constant 0 : i32
    %c0_i32_0 = arith.constant 0 : i32
    return %arg0, %c0_i32 : i32, i32
  }
  func.func @transform_1(%arg0: i32) -> (i32, i32) {
    %c0_i32 = arith.constant 0 : i32
    %c0_i32_0 = arith.constant 0 : i32
    %c0_i32_1 = arith.constant 0 : i32
    return %c0_i32, %c0_i32_0 : i32, i32
  }
  func.func @transform_2(%arg0: i32) -> (i32, i32) {
    %c0_i32 = arith.constant 0 : i32
    %c0_i32_0 = arith.constant 0 : i32
    %c0_i32_1 = arith.constant 0 : i32
    return %c0_i32, %c0_i32_0 : i32, i32
  }
  func.func @transform_3(%arg0: i32) -> (i32, i32) {
    %c0_i32 = arith.constant 0 : i32
    %c0_i32_0 = arith.constant 0 : i32
    %c0_i32_1 = arith.constant 0 : i32
    return %c0_i32, %c0_i32_0 : i32, i32
  }
  func.func @transform_4(%arg0: i32) -> (i32, i32) {
    %c0_i32 = arith.constant 0 : i32
    %c0_i32_0 = arith.constant 0 : i32
    %c0_i32_1 = arith.constant 0 : i32
    return %c0_i32, %c0_i32_0 : i32, i32
  }
  func.func @transform_5(%arg0: i32) -> (i32, i32) {
    %c0_i32 = arith.constant 0 : i32
    %c0_i32_0 = arith.constant 0 : i32
    %c0_i32_1 = arith.constant 0 : i32
    return %c0_i32, %c0_i32_0 : i32, i32
  }
  func.func @transform_6(%arg0: i32) -> (i32, i32) {
    %c0_i32 = arith.constant 0 : i32
    %c0_i32_0 = arith.constant 0 : i32
    %c0_i32_1 = arith.constant 0 : i32
    return %c0_i32, %c0_i32_0 : i32, i32
  }
  func.func @transform_7(%arg0: i32) -> (i32, i32) {
    %c0_i32 = arith.constant 0 : i32
    %c0_i32_0 = arith.constant 0 : i32
    return %arg0, %c0_i32 : i32, i32
  }
}

</mosaic_0001>

<sc_bundles>
// kernel: kernel.4.cloned.1.call-start
scs
__scs_entry_jumppad:
0x0: {  	(pc) =	sbr.rel $0x88, $3  }
0x1: {  	(tag) =	ssettag $0x0;
	lr =	simm.s32 $0x1  }
0x2: {  	[smem:$0x3F99] =	sst lr;
	_ =	strace $0xD0000000  }
0x3: {  	_ = 	snop  }
0x4: {  	_ = 	snop  }
0x5: {  	_ = 	snop  }
0x6: {  	_ = 	snop  }
0x7: {  	_ = 	snop  }
__scs_overlays_trampoline_lowered:
0x8: {  	[smem:$0x3FA8] =	sst s0  }
0x9: {  	[smem:$0x3FA9] =	sst s1  }
0xa: {  	[smem:$0x3FAA] =	sst s2  }
0xb: {  	[smem:$0x3FAB] =	sst s3  }
0xc: {  	[smem:$0x3FAC] =	sst s4  }
0xd: {  	[smem:$0x3FAD] =	sst s5  }
0xe: {  	[smem:$0x3FAE] =	sst s6  }
0xf: {  	[smem:$0x3FAF] =	sst s7  }
0x10: {  	[smem:$0x3FB0] =	sst s8  }
0x11: {  	[smem:$0x3FB1] =	sst s9;
	s0 =	simm.s32 @!p0 $0x0  }
0x12: {  	s1 =	sld [smem:$0x3F97];
	s0 =	simm.s32 @p0 $0x1  }
0x13: {  	[smem:$0x3FB2] =	sst s0;
	s0 =	simm.s32 @!p1 $0x0  }
0x14: {  	s2 =	sld [smem:$0x3F96];
	s0 =	simm.s32 @p1 $0x1  }
0x15: {  	[smem:$0x3FB3] =	sst s0;
	s0 =	simm.s32 @!p2 $0x0  }
0x16: {  	s3 =	sld [smem:$0x3FDB];
	s0 =	simm.s32 @p2 $0x1  }
0x17: {  	s4 =	simm.s32 $0x1BF5;
	[smem:$0x3FB5] =	sst s0  }
0x18: {  	s0 =	sld [smem:$0x3F98];
	_ =	swait.ge [sflag:s4], $0x0  }
0x19: {  	s7 =	sld [smem:$0x3F99]  }
0x1a: {  	s8 =	sadd.s32 $0xFFFFE003, lr  }
0x1b: {  	s9 =	sadd.s32 $0xFFFFFEF7, lr;
	s5 =	simm.s32 $0xFFFFFFFF;
	p2 =	slt.u32 s8, $0xFFFFF086  }
0x1c: {  	p1 =	slt.u32 s9, $0xF7A;
	s5 =	simm.s32 @!p2 $0x0  }
0x1d: {  	s5 =	simm.s32 @p1 $0x1;
	p0 =	seq.s32 s7, s2  }
0x1e: {  	s7 =	smul.u32 @!p0 $0xF7A, s2;
	p2 =	seq.s32 @!p0 s5, $0x0  }
0x1f: {  	s9 =	smul.u32 $0xF7A, s1;
	s8 =	simm.s32 @!p0 $0x1BF5;
	p2 =	por !p2, p0  }
0x20: {  	[sflag:s8] =	ssyncset.s32 @!p0 $0xFFFFF086;
	s6 =	sadd.s32 @!p0 s3, s7;
	s7 =	simm.s32 @!p0 $0x108  }
0x21: {  	s3 =	sadd.s32 s3, s9;
	s6 =	sadd.s32 @!p0 $0x88, s6;
	s7 =	simm.s32 @p2 $0x1082  }
0x22: {  	[simem:s7], [sflag:s8] =	dma.local @!p0 [hbm:s6], $0xF7A  }
0x23: {  	s9 =	sor.u32 $0xD0000000, s2;
	s6 =	simm.s32 $0x108;
	_ =	swait.ge @!p0 [sflag:s8], $0x0  }
0x24: {  	s3 =	sadd.s32 $0x88, s3;
	s6 =	simm.s32 @!p1 $0x1082;
	[sflag:s4] =	ssyncset.s32 $0xFFFFF086  }
0x25: {  	[simem:s6], [sflag:s4] =	dma.local [hbm:s3], $0xF7A  }
0x26: {  	[smem:$0x3F99] =	sst s1;
	(tag) =	ssettag s2;
	_ =	strace s9  }
0x27: {  	s1 =	sld [smem:$0x3FA9]  }
0x28: {  	s2 =	sld [smem:$0x3FAA]  }
0x29: {  	s4 =	sld [smem:$0x3FAC]  }
0x2a: {  	p0 =	seq.s32 s5, $0x0;
	s5 =	sld [smem:$0x3FAD]  }
0x2b: {  	s6 =	sld [smem:$0x3FAE]  }
0x2c: {  	s7 =	sld [smem:$0x3FAF]  }
0x2d: {  	s3 =	simm.s32 $0x108;
	s8 =	sld [smem:$0x3FB0]  }
0x2e: {  	s3 =	simm.s32 @!p0 $0x1082;
	s9 =	sld [smem:$0x3FB1]  }
0x2f: {  	lr =	sadd.s32 s0, s3;
	s0 =	sld [smem:$0x3FA8]  }
0x30: {  	s3 =	sld [smem:$0x3FAB]  }
0x31: {  	[smem:$0x3FB4] =	sst s10  }
0x32: {  	s10 =	sld [smem:$0x3FB2];
	_ =	sdelay $0x3  }
0x33: {  	p0 =	seq.s32 s10, $0x1;
	s10 =	sld [smem:$0x3FB4];
	_ =	sdelay $0x3  }
0x34: {  	[smem:$0x3FB4] =	sst s10  }
0x35: {  	s10 =	sld [smem:$0x3FB3];
	_ =	sdelay $0x3  }
0x36: {  	p1 =	seq.s32 s10, $0x1;
	s10 =	sld [smem:$0x3FB4];
	_ =	sdelay $0x3  }
0x37: {  	[smem:$0x3FB4] =	sst s10  }
0x38: {  	s10 =	sld [smem:$0x3FB5]  }
0x39: {  	_ = 	snop;
	(pc) =	sbr.ind lr, $3  }
0x3a: {  	_ = 	snop  }
0x3b: {  	_ = 	snop  }
0x3c: {  	p2 =	seq.s32 s10, $0x1;
	s10 =	sld [smem:$0x3FB4]  }
0x3d: {  	_ =	shalt  }
0x3e: {  	_ =	shalt  }
0x3f: {  	_ =	shalt  }
0x40: {  	_ =	shalt  }
0x41: {  	_ =	shalt  }
0x42: {  	_ =	shalt  }
0x43: {  	_ =	shalt  }
0x44: {  	_ =	shalt  }
0x45: {  	_ =	shalt  }
0x46: {  	_ =	shalt  }
0x47: {  	_ =	shalt  }
0x48: {  	_ =	shalt  }
0x49: {  	_ =	shalt  }
0x4a: {  	_ =	shalt  }
0x4b: {  	_ =	shalt  }
0x4c: {  	_ =	shalt  }
0x4d: {  	_ =	shalt  }
0x4e: {  	_ =	shalt  }
0x4f: {  	_ =	shalt  }
0x50: {  	_ =	shalt  }
0x51: {  	_ =	shalt  }
0x52: {  	_ =	shalt  }
0x53: {  	_ =	shalt  }
0x54: {  	_ =	shalt  }
0x55: {  	_ =	shalt  }
0x56: {  	_ =	shalt  }
0x57: {  	_ =	shalt  }
0x58: {  	_ =	shalt  }
0x59: {  	_ =	shalt  }
0x5a: {  	_ =	shalt  }
0x5b: {  	_ =	shalt  }
0x5c: {  	_ =	shalt  }
0x5d: {  	_ =	shalt  }
0x5e: {  	_ =	shalt  }
0x5f: {  	_ =	shalt  }
0x60: {  	_ =	shalt  }
0x61: {  	_ =	shalt  }
0x62: {  	_ =	shalt  }
0x63: {  	_ =	shalt  }
0x64: {  	_ =	shalt  }
0x65: {  	_ =	shalt  }
0x66: {  	_ =	shalt  }
0x67: {  	_ =	shalt  }
0x68: {  	_ =	shalt  }
0x69: {  	_ =	shalt  }
0x6a: {  	_ =	shalt  }
0x6b: {  	_ =	shalt  }
0x6c: {  	_ =	shalt  }
0x6d: {  	_ =	shalt  }
0x6e: {  	_ =	shalt  }
0x6f: {  	_ =	shalt  }
0x70: {  	_ =	shalt  }
0x71: {  	_ =	shalt  }
0x72: {  	_ =	shalt  }
0x73: {  	_ =	shalt  }
0x74: {  	_ =	shalt  }
0x75: {  	_ =	shalt  }
0x76: {  	_ =	shalt  }
0x77: {  	_ =	shalt  }
0x78: {  	_ =	shalt  }
0x79: {  	_ =	shalt  }
0x7a: {  	_ =	shalt  }
0x7b: {  	_ =	shalt  }
0x7c: {  	_ =	shalt  }
0x7d: {  	_ =	shalt  }
0x7e: {  	_ =	shalt  }
0x7f: {  	_ =	shalt  }
0x80: {  	_ =	shalt  }
0x81: {  	_ =	shalt  }
0x82: {  	_ =	shalt  }
0x83: {  	_ =	shalt  }
0x84: {  	_ =	shalt  }
0x85: {  	_ =	shalt  }
0x86: {  	_ =	shalt  }
0x87: {  	_ =	shalt  }
.Lfunc_end0:
.L_simem_size_0:
called_computation_lowered:
.L_overlay_start_0:
0x88: {  	s2 =	sld [smem:$0x3FD9]  }
0x89: {  	s3 =	sld [smem:$0x3FFE];
	_ =	sdelay $0x1  }
0x8a: {  	s1 =	srdreg.scid  }
0x8b: {  	s0 =	sand.u32 $0x1, s1  }
0x8c: {  	s17 =	sshll.u32 s0, $0xA;
	s2 =	sadd.s32 s3, s2  }
0x8d: {  	s2 =	sadd.s32 s2, s17  }
0x8e: {  	[smem:$0x3FC0] =	sst s2  }
0x8f: {  	_ = 	snop  }
0x90: {  	s2 =	sld [smem:$0x3FC8]  }
0x91: {  	s18 =	sld [smem:$0x3FD0];
	(tm) =	ssettm $0x1  }
0x92: {  	s4 =	sld [smem:$0x3FFB];
	_ =	sdelay $0x3  }
0x93: {  	_ =	strace s4  }
0x94: {  	s4 =	sld [smem:$0x3FFC];
	_ =	sdelay $0x3  }
0x95: {  	_ =	strace s4  }
0x96: {  	s4 =	sld [smem:$0x3FFD];
	_ =	sdelay $0x3  }
0x97: {  	_ =	strace s4  }
0x98: {  	_ =	strace $0x8FFFFFFF  }
0x99: {  	s19 =	sld [smem:$0x3FDB];
	_ =	sdelay $0x1  }
0x9a: {  	s5 =	simm.s32 $_scs_section_size  }
0x9b: {  	s6 =	simm.s32 $_size__tile_overlayer_lowered;
	s7 =	simm.s32 $_tile_overlayer_lowered  }
0x9c: {  	s22 =	simm.s32 $0x1BFF;
	s21 =	sshll.u32 s7, $0x1;
	s4 =	sadd.s32 s5, s19  }
0x9d: {  	s8 =	simm.s32 $0x0;
	s20 =	sshll.u32 s6, $0x1;
	s6 =	sadd.s32 s21, s4  }
0x9e: {  	[timem:s8], [sflag:s22] =	dma.local [hbm:s6], s20  }
0x9f: {  	_ =	swait.ge [sflag:s22], s20  }
0xa0: {  	s5 =	ssub.s32 $0x0, s20;
	[sflag:s22] =	ssyncset.done $0x0  }
0xa1: {  	[sflag:s22] =	ssyncadd.s32 s5;
	_ =	sdelay $0x1  }
0xa2: {  	s23 =	simm.s32 $0x1B8B  }
0xa3: {  	_ =	swait.ge [sflag:s23], $0x1  }
0xa4: {  	[sflag:s23] =	ssyncset.done $0x0  }
0xa5: {  	s25 =	simm.s32 $0x1B8E;
	s24 =	sld [smem:$0x3FFE];
	[sflag:s23] =	ssyncadd.s32 $0xFFFFFFFF  }
0xa6: {  	s26 =	simm.s32 $execute0_lowered;
	[smem:$0x3FD2] =	sst s25  }
0xa7: {  	s6 =	sshll.u32 s26, $0x1;
	_ =	strace $0x80000046;
	[dreg:$0x1] =	wrdreg $0xFFFFFFFF  }
0xa8: {  	s28 =	simm.s32 $_size_execute0_lowered;
	s4 =	sadd.s32 s4, s6;
	[dreg:$0x0] =	wrdreg $0x0  }
0xa9: {  	s6 =	sshll.u32 s28, $0x1;
	[dreg:$0x2] =	wrdreg s4  }
0xaa: {  	[dreg:$0x3] =	wrdreg s6  }
0xab: {  	[dreg:$0x4] =	wrdreg $0xC0  }
0xac: {  	_ =	task [dreg:s8], $0x5FFFF  }
0xad: {  	[dreg:$0x1] =	wrdreg $0xFFFFFFFF  }
0xae: {  	[dreg:$0x0] =	wrdreg $0x60  }
0xaf: {  	[dreg:$0x2] =	wrdreg s18  }
0xb0: {  	[dreg:$0x3] =	wrdreg s2  }
0xb1: {  	[dreg:$0x4] =	wrdreg s24  }
0xb2: {  	[dreg:$0x5] =	wrdreg $0x9  }
0xb3: {  	_ =	task.clear_ibuf [dreg:s8], $0x6FFFF;
	_ =	strace $0x90000046  }
0xb4: {  	s29 =	simm.s32 $0x9;
	_ =	strace $0x80000048  }
0xb5: {  	_ =	swait.ge [sflag:s29], $0x1  }
0xb6: {  	[sflag:s29] =	ssyncadd.s32 $0xFFFFFFFF  }
0xb7: {  	_ =	strace $0x90000048  }
0xb8: {  	_ =	sfence  }
0xb9: {  	s30 =	sld [smem:$0x0];
	_ =	sdelay $0x2  }
0xba: {  	s31 =	sshll.u32 s1, $0xD;
	s1 =	sshrl.u32 s1, $0x2  }
0xbb: {  	s3 =	sand.u32 $0x4000, s31;
	s1 =	sadd.s32 s1, s30  }
0xbc: {  	s0 =	sor.u32 s3, s0;
	s1 =	sshll.u32 s1, $0x11  }
0xbd: {  	s0 =	sor.u32 s1, s0  }
0xbe: {  	s0 =	sadd.s32 $0x8F2B, s0  }
0xbf: {  	[sflag:s0] =	ssyncadd.remote.s32 $0x1  }
0xc0: {  	_ =	sfence.sel $0xFFFF  }
0xc1: {  	[dreg:$0x0] =	wrdreg $0xFFFFFFFF;
	(pc) =	sbr.abs _section_cstart, $3  }
0xc2: {  	[dreg:$0x1] =	wrdreg $0xFFFFFFFF  }
0xc3: {  	_ =	task.clear_ibuf [dreg:s8], $0x2FFFF;
	_ =	strace $0x9FFFFFFF  }
0xc4: {  	(tm) =	ssettm $0x7FFFFFFF  }
0xc5: {  	_ =	shalt  }
tec
execute0_lowered:
.L_overlay_start_1:
0x0: {  	(tag) =	ssettag $0x1  }
0x1: {  	s0 =	rddreg [dreg:$0x0]  }
0x2: {  	s1 =	rddreg [dreg:$0x1]  }
0x3: {  	s2 =	rddreg [dreg:$0x2]  }
0x4: {  	s4 =	srdreg.scid;
	s3 =	simm.s32 $0x0;
	s5 =	stileid.u32  }
0x5: {  	s7 =	simm.s32 $0x9;
	s8 =	simm.s32 $0x32;
	s17 =	simm.s32 $0xB000  }
0x6: {  	s18 =	simm.s32 $0x280;
	s19 =	simm.s32 $0xCC00;
	s20 =	simm.s32 $0x300  }
0x7: {  	s21 =	simm.s32 $0xE800;
	s22 =	simm.s32 $0x380;
	s23 =	simm.s32 $0x10400  }
0x8: {  	s24 =	simm.s32 $0x1;
	s25 =	simm.s32 $0x2;
	s28 =	simm.s32 $0x4  }
0x9: {  	s29 =	simm.s32 $0x5;
	s30 =	simm.s32 $0x6;
	s31 =	simm.s32 $0x7  }
0xa: {  	s9 =	simm.s32 $0x0;
	s16 =	simm.s32 $0x0;
	s4 =	sand.u32 $0x1, s4  }
0xb: {  	s5 =	sshll.u32 s5, $0xC;
	s6 =	sshll.u32 s4, $0xB;
	s4 =	ssub.s32 $0x2, s4  }
0xc: {  	[smem:$0x7FF] =	sst s3;
	s5 =	sor.u32 s6, s5;
	s26 =	sshrl.u32 s4, $0x1  }
0xd: {  	_ =	strace $0x80000047;
	s2 =	sadd.s32 s5, s2;
	s6 =	ssub.s32 s4, s26  }
0xe: {  	s4 =	sadd.s32 s0, s5;
	s26 =	simm.s32 $0x3;
	s0 =	simm.s32 $0x8  }
0xf: {  	s5 =	sadd.s32 $0x1200, s2;
	s6 =	smax.u32 s6, $0x1;
	s2 =	simm.s32 $0x12000  }
.LBB2_1:
0x10: {  	[tilespmem:s3], [sflag:$0x9] =	stream.linear.gather [hbm4b:s4+s3], $0x4000, $0x38;
	[tilespmem:$0x16000] =	vst v63  }
0x11: {  	_ =	swait.ge [sflag:s7], $0x4000  }
0x12: {  	[sflag:s7] =	ssyncset.done $0x0  }
0x13: {  	s10 =	simm.s32 $0x4000;
	[sflag:s7] =	ssyncadd.s32 $0xFFFFC000  }
0x14: {  	[tilespmem:s10], [sflag:$0x1] =	stream.indirect.gather [hbm4b:s1+s8], $0x80, s3, s8, $0xb8;
	[tilespmem:$0x16000] =	vst v63  }
0x15: {  	s15 =	simm.s32 $0x80;
	s11 =	simm.s32 $0x5C00  }
0x16: {  	[tilespmem:s11], [sflag:$0x2] =	stream.indirect.gather [hbm4b:s1+s8], $0x80, s15, s8, $0xb8;
	[tilespmem:$0x16000] =	vst v63  }
0x17: {  	s12 =	simm.s32 $0x7800;
	s11 =	simm.s32 $0x100  }
0x18: {  	[tilespmem:s12], [sflag:$0x3] =	stream.indirect.gather [hbm4b:s1+s8], $0x80, s11, s8, $0xb8;
	[tilespmem:$0x16000] =	vst v63  }
0x19: {  	s13 =	simm.s32 $0x180;
	s14 =	simm.s32 $0x9400  }
0x1a: {  	[tilespmem:s14], [sflag:$0x4] =	stream.indirect.gather [hbm4b:s1+s8], $0x80, s13, s8, $0xb8;
	[tilespmem:$0x16000] =	vst v63  }
0x1b: {  	s15 =	simm.s32 $0x200  }
0x1c: {  	[tilespmem:s17], [sflag:$0x5] =	stream.indirect.gather [hbm4b:s1+s8], $0x80, s15, s8, $0xb8;
	[tilespmem:$0x16000] =	vst v63  }
0x1d: {  	_ = 	snop  }
0x1e: {  	[tilespmem:s19], [sflag:$0x6] =	stream.indirect.gather [hbm4b:s1+s8], $0x80, s18, s8, $0xb8;
	[tilespmem:$0x16000] =	vst v63  }
0x1f: {  	_ = 	snop  }
0x20: {  	[tilespmem:s21], [sflag:$0x7] =	stream.indirect.gather [hbm4b:s1+s8], $0x80, s20, s8, $0xb8;
	[tilespmem:$0x16000] =	vst v63  }
0x21: {  	s10 =	simm.s32 $0x0;
	s11 =	simm.s32 $0x0  }
0x22: {  	[tilespmem:s23], [sflag:$0x8] =	stream.indirect.gather [hbm4b:s1+s8], $0x80, s22, s8, $0xb8;
	[tilespmem:$0x16000] =	vst v63  }
.LBB2_2:
0x23: {  	s12 =	sand.u32 $0x7, s10  }
0x24: {  	s12 =	smul.u32 $0x7000, s12;
	_ =	sdelay $0x1  }
0x25: {  	s12 =	sshrl.u32 s12, $0x2  }
0x26: {  	s12 =	sadd.s32 $0x4040, s12  }
0x27: {  	s13 =	sand.u32 $0x7, s11;
	v1 =	vmov s12  }
0x28: {  	s12 =	sadd.s32 $0x1, s13  }
0x29: {  	_ =	swait.ge [sflag:s12], $0x1900  }
0x2a: {  	[sflag:s12] =	ssyncset.done $0x0  }
0x2b: {  	[sflag:s12] =	ssyncadd.s32 $0xFFFFE700  }
0x2c: {  	v0 =	vld.idx.msk [tilespmem:v1+s16+$0x30 ss:$0x1], $0xffff  }
0x2d: {  	v4 =	vld.idx.msk [tilespmem:v1+s16+$0xFFFFFFC0 ss:$0x1], $0xffff  }
0x2e: {  	v9 =	vld.idx.msk [tilespmem:v1+s16+$0xFFFFFFD0 ss:$0x1], $0xffff  }
0x2f: {  	v7 =	vld.idx.msk [tilespmem:v1+s16+$0xFFFFFFE0 ss:$0x1], $0xffff  }
0x30: {  	s13 =	smul.u32 $0x7000, s13;
	v6 =	vld.idx.msk [tilespmem:v1+s16+$0xFFFFFFF0 ss:$0x1], $0xffff  }
0x31: {  	v5 =	vimm.f32 $0.0e+00;
	v14 =	vimm.f32 $0.0e+00;
	v2 =	vld.idx.msk [tilespmem:v1+s16+$0x0 ss:$0x1], $0xffff  }
0x32: {  	v10 =	vimm.f32 $0.0e+00;
	v12 =	vimm.f32 $0.0e+00;
	v8 =	vimm.f32 $0.0e+00;
	s13 =	sshrl.u32 s13, $0x2;
	v3 =	vld.idx.msk [tilespmem:v1+s16+$0x10 ss:$0x1], $0xffff  }
0x33: {  	s14 =	simm.s32 $0x80;
	s15 =	simm.s32 $0x400;
	s13 =	sadd.s32 $0x4000, s13;
	v11 =	vld.idx.msk [tilespmem:v1+s16+$0x20 ss:$0x1], $0xffff;
	v0 =	vadd.f32 v0, v5;
	v13 =	vadd.f32 v4, v5;
	v4 =	vimm.f32 $0.0e+00  }
.LBB2_3:
0x34: {  	p0 =	sne.s32 s15, $0x6200;
	v15 =	vld.idx.msk [tilespmem:v1+s14+$0x30 ss:$0x1], $0xffff;
	v5 =	vadd.f32 v9, v5  }
0x35: {  	v14 =	vadd.f32 v7, v14;
	v16 =	vld.idx.msk [tilespmem:v1+s14+$0xFFFFFFC0 ss:$0x1], $0xffff  }
0x36: {  	v10 =	vadd.f32 v6, v10;
	v9 =	vld.idx.msk [tilespmem:v1+s14+$0xFFFFFFD0 ss:$0x1], $0xffff  }
.Ltmp0:
0x37: {  	v12 =	vadd.f32 v2, v12;
	v7 =	vld.idx.msk [tilespmem:v1+s14+$0xFFFFFFE0 ss:$0x1], $0xffff;
	(pc) =	sbr.rel @p0 .LBB2_3-.Ltmp0, $4  }
0x38: {  	v8 =	vadd.f32 v3, v8;
	v6 =	vld.idx.msk [tilespmem:v1+s14+$0xFFFFFFF0 ss:$0x1], $0xffff  }
0x39: {  	v4 =	vadd.f32 v11, v4;
	v2 =	vld.idx.msk [tilespmem:v1+s14+$0x0 ss:$0x1], $0xffff  }
0x3a: {  	v0 =	vadd.f32 v15, v0;
	v3 =	vld.idx.msk [tilespmem:v1+s14+$0x10 ss:$0x1], $0xffff  }
0x3b: {  	v13 =	vadd.f32 v16, v13;
	v11 =	vld.idx.msk [tilespmem:v1+s14+$0x20 ss:$0x1], $0xffff;
	s14 =	sshra.s32 s15, $0x2;
	s15 =	sadd.s32 $0x200, s15  }
0x3c: {  	_ =	sdelay $0x3  }
0x3d: {  	v15 =	vld.idx.msk [tilespmem:v1+s14+$0x30 ss:$0x1], $0xffff  }
0x3e: {  	v16 =	vld.idx.msk [tilespmem:v1+s14+$0xFFFFFFC0 ss:$0x1], $0xffff  }
0x3f: {  	v17 =	vld.idx.msk [tilespmem:v1+s14+$0xFFFFFFD0 ss:$0x1], $0xffff  }
0x40: {  	v18 =	vld.idx.msk [tilespmem:v1+s14+$0xFFFFFFE0 ss:$0x1], $0xffff  }
0x41: {  	v19 =	vld.idx.msk [tilespmem:v1+s14+$0xFFFFFFF0 ss:$0x1], $0xffff  }
0x42: {  	v5 =	vadd.f32 v9, v5;
	v61 =	vld.idx.msk [tilespmem:v1+s14+$0x0 ss:$0x1], $0xffff  }
0x43: {  	v7 =	vadd.f32 v7, v14;
	v62 =	vld.idx.msk [tilespmem:v1+s14+$0x10 ss:$0x1], $0xffff;
	s15 =	sshll.u32 s11, $0x9;
	v13 =	vadd.f32 v16, v13  }
0x44: {  	v63 =	vld.idx.msk [tilespmem:v1+s14+$0x20 ss:$0x1], $0xffff;
	v6 =	vadd.f32 v6, v10;
	s14 =	sshrl.u32 s15, $0x2;
	v5 =	vadd.f32 v17, v5  }
0x45: {  	v2 =	vadd.f32 v2, v12;
	v7 =	vadd.f32 v18, v7;
	[tilespmem:s14+$0x12000] =	vst v13  }
0x46: {  	v3 =	vadd.f32 v3, v8;
	v6 =	vadd.f32 v19, v6;
	[tilespmem:s14+$0x12010] =	vst v5  }
0x47: {  	s11 =	sadd.s32 $0x1, s11;
	v2 =	vadd.f32 v61, v2;
	[tilespmem:s14+$0x12020] =	vst v7  }
0x48: {  	p0 =	sne.s32 s11, $0x80;
	v4 =	vadd.f32 v11, v4;
	v3 =	vadd.f32 v62, v3;
	[tilespmem:s14+$0x12030] =	vst v6  }
.Ltmp1:
0x49: {  	v0 =	vadd.f32 v15, v0;
	[tilespmem:s14+$0x12040] =	vst v2;
	(pc) =	sbr.rel @p0 .LBB2_2-.Ltmp1, $4  }
0x4a: {  	s15 =	sadd.s32 $0x1000, s15;
	v1 =	vadd.f32 v63, v4;
	[tilespmem:s14+$0x12050] =	vst v3  }
0x4b: {  	s15 =	sand.u32 $0xFE00, s15;
	[tilespmem:s14+$0x12070] =	vst v0  }
0x4c: {  	s10 =	sadd.s32 $0x1, s10;
	s15 =	sshrl.u32 s15, $0x2;
	[tilespmem:s14+$0x12060] =	vst v1  }
0x4d: {  	[tilespmem:s13], [sflag:s12] =	stream.indirect.gather [hbm4b:s1+s8], $0x80, s15, s8, $0xb8;
	[tilespmem:$0x16000] =	vst v63  }
0x4e: {  	_ =	swait.ge [sflag:s24], $0x1900  }
0x4f: {  	[sflag:s24] =	ssyncset.done $0x0  }
0x50: {  	[sflag:s24] =	ssyncadd.s32 $0xFFFFE700  }
0x51: {  	_ =	swait.ge [sflag:s25], $0x1900  }
0x52: {  	[sflag:s25] =	ssyncset.done $0x0  }
0x53: {  	[sflag:s25] =	ssyncadd.s32 $0xFFFFE700  }
0x54: {  	_ =	swait.ge [sflag:s26], $0x1900  }
0x55: {  	[sflag:s26] =	ssyncset.done $0x0  }
0x56: {  	[sflag:s26] =	ssyncadd.s32 $0xFFFFE700  }
0x57: {  	_ =	swait.ge [sflag:s28], $0x1900  }
0x58: {  	[sflag:s28] =	ssyncset.done $0x0  }
0x59: {  	[sflag:s28] =	ssyncadd.s32 $0xFFFFE700  }
0x5a: {  	_ =	swait.ge [sflag:s29], $0x1900  }
0x5b: {  	[sflag:s29] =	ssyncset.done $0x0  }
0x5c: {  	[sflag:s29] =	ssyncadd.s32 $0xFFFFE700  }
0x5d: {  	_ =	swait.ge [sflag:s30], $0x1900  }
0x5e: {  	[sflag:s30] =	ssyncset.done $0x0  }
0x5f: {  	[sflag:s30] =	ssyncadd.s32 $0xFFFFE700  }
0x60: {  	_ =	swait.ge [sflag:s31], $0x1900  }
0x61: {  	[sflag:s31] =	ssyncset.done $0x0  }
0x62: {  	[sflag:s31] =	ssyncadd.s32 $0xFFFFE700  }
0x63: {  	s9 =	sadd.s32 $0x1, s9;
	_ =	swait.ge [sflag:s0], $0x1900  }
0x64: {  	p0 =	sne.s32 s9, s6;
	[sflag:s0] =	ssyncset.done $0x0  }
.Ltmp2:
0x65: {  	[sflag:s0] =	ssyncadd.s32 $0xFFFFE700;
	(pc) =	sbr.rel @p0 .LBB2_1-.Ltmp2, $4  }
0x66: {  	[hbm4b:s5+s3] =	stream.linear.scatter [tilespmem:s2], [sflag:$0x9], $0x4000, $0x38;
	[tilespmem:$0x16000] =	vst v63  }
0x67: {  	_ =	swait.ge [sflag:s7], $0x4000  }
0x68: {  	[sflag:s7] =	ssyncset.done $0x0  }
0x69: {  	[sflag:s7] =	ssyncadd.s32 $0xFFFFC000  }
0x6a: {  	_ =	sfence.sel $0x180000  }
0x6b: {  	[bflag:$0x0] =	sbarrier.arrive $0xFFFF  }
0x6c: {  	_ =	strace $0x90000047  }
0x6d: {  	s0 =	stileid.u32;
	[bflag:$0x2] =	sbarrier.arrive $0xFFFF  }
0x6e: {  	p0 =	sne.s32 s0, $0x0;
	s0 =	rddreg [dreg:$0x3]  }
0x6f: {  	s0 =	sadd.s32 @!p0 $0x100000, s0  }
0x70: {  	[sflag:s0] =	ssyncadd.tile.s32 @!p0 $0x1;
	_ =	shalt  }
.Lfunc_end2:
_tile_overlayer_lowered:
.L_overlay_start_2:
0x71: {  	(tag) =	ssettag $0x2  }
0x72: {  	s0 =	rddreg [dreg:$0x0];
	s2 =	stileid.u32  }
0x73: {  	s1 =	rddreg [dreg:$0x1];
	p0 =	sne.s32 s2, $0x0  }
0x74: {  	s3 =	rddreg [dreg:$0x2];
	[bflag:$0x3] =	sbarrier.arrive $0xFFFF;
	s2 =	simm.s32 @!p0 $0x1C09  }
0x75: {  	[timem:s3], [sflag:s2] =	dma.local @!p0 [hbm:s0], s1  }
0x76: {  	s0 =	simm.s32 @!p0 $0x9  }
0x77: {  	_ =	swait.ge @!p0 [sflag:s0], s1  }
0x78: {  	s1 =	ssub.s32 @!p0 $0x0, s1;
	[sflag:s0] =	ssyncset.done @!p0 $0x0  }
0x79: {  	[sflag:s0] =	ssyncadd.s32 @!p0 s1  }
0x7a: {  	[bflag:$0x3] =	sbarrier.arrive $0xFFFF  }
0x7b: {  	_ =	shalt  }

</sc_bundles>
